<compile_context>
chip_gen: v7x
topology: tpu7x:2x2x1
jax: 0.10.2.dev20260603
libtpu: 0.0.44.dev20260713+nightly
codegen_flags: <defaults>
</compile_context>

<pallas_src>
import functools

import jax
import jax.numpy as jnp
from jax import lax
from jax.experimental import pallas as pl
from jax.experimental.pallas import tpu as pltpu
from jax.experimental.pallas import tpu_sc as plsc

N_ELEC = 256
D = 128
B = 1024
NC = 2
NS = 16
NW = NC * NS
FLAT = B * N_ELEC
ROWS_PER_W = FLAT // NW
CHUNK = 128
NCHUNK = ROWS_PER_W // CHUNK


NBANDS = 64
NZPOS = 19


def _build_fused_table(positions, proj_Wt, proj_b2, emb_table, idx2d):
    NB = 64
    STEPS = NBANDS // NB
    IDXB = (FLAT // CHUNK) // STEPS

    def body(pos_ref, wt_ref, b_ref, emb_ref, idx_ref, out_ref, idx2_ref):
        posf = (
            jnp.dot(pos_ref[...], wt_ref[...], preferred_element_type=jnp.float32)
            + b_ref[...]
        )
        out_ref[...] = emb_ref[...][None, :, :] + posf[:, None, :]
        par = lax.rem(lax.broadcasted_iota(jnp.int32, (IDXB, CHUNK), 0), 2)
        lane = lax.broadcasted_iota(jnp.int32, (IDXB, CHUNK), 1)
        n = par * CHUNK + lane
        band = jnp.where(n < NBANDS, n, NZPOS + lax.rem(n - NZPOS, NBANDS - NZPOS))
        idx2_ref[...] = idx_ref[...] + band * N_ELEC

    return pl.pallas_call(
        body,
        grid=(STEPS,),
        in_specs=[
            pl.BlockSpec((NB, 3), lambda i: (i, 0)),
            pl.BlockSpec((3, D), lambda i: (0, 0)),
            pl.BlockSpec((1, D), lambda i: (0, 0)),
            pl.BlockSpec((N_ELEC, D), lambda i: (0, 0)),
            pl.BlockSpec((IDXB, CHUNK), lambda i: (i, 0)),
        ],
        out_specs=[
            pl.BlockSpec((NB, N_ELEC, D), lambda i: (i, 0, 0)),
            pl.BlockSpec((IDXB, CHUNK), lambda i: (i, 0)),
        ],
        out_shape=[
            jax.ShapeDtypeStruct((NBANDS, N_ELEC, D), jnp.float32),
            jax.ShapeDtypeStruct((FLAT // CHUNK, CHUNK), jnp.int32),
        ],
    )(positions, proj_Wt, proj_b2, emb_table, idx2d)


def _sc_gather(table_flat, idx2):
    mesh = plsc.VectorSubcoreMesh(core_axis_name="c", subcore_axis_name="s")

    NSLOT = 7
    LAG = 3

    @functools.partial(
        pl.kernel,
        mesh=mesh,
        out_type=jax.ShapeDtypeStruct((FLAT, D), jnp.float32),
        scratch_types=[
            pltpu.VMEM((NCHUNK, CHUNK), jnp.int32),
            pltpu.VMEM((NSLOT, CHUNK, D), jnp.float32),
        ]
        + [pltpu.SemaphoreType.DMA] * (2 * NSLOT),
    )
    def k(table_hbm, idx_hbm, out_hbm, idx_v, buf_v, *sems):
        gsems = sems[:NSLOT]
        ssems = sems[NSLOT:]
        cid = lax.axis_index("c")
        sid = lax.axis_index("s")
        wid = sid * NC + cid

        pltpu.sync_copy(idx_hbm.at[pl.ds(wid * NCHUNK, NCHUNK)], idx_v)

        base = wid * ROWS_PER_W

        def issue_gather(c, b):
            pltpu.async_copy(table_hbm.at[idx_v.at[c]], buf_v.at[b], gsems[b])

        def wait_gather(b):
            pltpu.make_async_copy(
                table_hbm.at[pl.ds(0, CHUNK)], buf_v.at[b], gsems[b]
            ).wait()

        def issue_scatter(c, b):
            pltpu.async_copy(
                buf_v.at[b], out_hbm.at[pl.ds(base + c * CHUNK, CHUNK)], ssems[b]
            )

        def wait_scatter(b):
            pltpu.make_async_copy(
                buf_v.at[b], out_hbm.at[pl.ds(0, CHUNK)], ssems[b]
            ).wait()

        def visit(c, b, with_wait_scatter):
            if with_wait_scatter:
                wait_scatter(b)
            issue_gather(c, b)
            b2 = (b - LAG) % NSLOT
            wait_gather(b2)
            issue_scatter(c - LAG, b2)

        PRO = NSLOT + (NCHUNK - NSLOT) % NSLOT
        for c in range(PRO):
            if c < LAG:
                issue_gather(c, c % NSLOT)
            else:
                visit(c, c % NSLOT, with_wait_scatter=(c >= NSLOT))

        def steady(t, carry):
            c0 = PRO + t * NSLOT
            for j in range(NSLOT):
                visit(c0 + j, (PRO + j) % NSLOT, with_wait_scatter=True)
            return carry

        lax.fori_loop(0, (NCHUNK - PRO) // NSLOT, steady, 0)

        for c in range(NCHUNK, NCHUNK + LAG):
            b2 = (c - LAG) % NSLOT
            wait_gather(b2)
            issue_scatter(c - LAG, b2)
        for c in range(NCHUNK - NSLOT, NCHUNK):
            wait_scatter(c % NSLOT)

    return k(table_flat, idx2)


def kernel(electrode_indices, emb_table, proj_W, proj_b, positions):
    idx2d = electrode_indices.astype(jnp.int32).reshape(FLAT // CHUNK, CHUNK)
    proj_Wt = jnp.swapaxes(proj_W, 0, 1)
    proj_b2 = proj_b.reshape(1, D)
    table, idx2 = _build_fused_table(
        positions[:NBANDS], proj_Wt, proj_b2, emb_table, idx2d
    )
    table_flat = table.reshape(NBANDS * N_ELEC, D)
    out_flat = _sc_gather(table_flat, idx2)
    return out_flat.reshape(B, N_ELEC, D)

# --- scband reference (transcript-rebuilt; emitter-appended) ---
"""Pipeline reference for scband-electrode-embedding-89678917141236 (READ-ONLY COPY).

The authoritative reference and input builder live on the scoring server;
editing this copy changes nothing except your own understanding.
"""

import jax, jax.numpy as jnp
import numpy as np

ELECTRODE_POSITIONS = [(-0.31, 0.95, 0.0), (0.31, 0.95, 0.0), (-0.81, 0.59, 0.0), (-0.55, 0.67, 0.47), (0.0, 0.71, 0.71), (0.55, 0.67, 0.47), (0.81, 0.59, 0.0), (-1.0, 0.0, 0.0), (-0.71, 0.0, 0.71), (0.0, 0.0, 1.0), (0.71, 0.0, 0.71), (1.0, 0.0, 0.0), (-0.81, -0.59, 0.0), (-0.55, -0.67, 0.47), (0.0, -0.71, 0.71), (0.55, -0.67, 0.47), (0.81, -0.59, 0.0), (-0.31, -0.95, 0.0), (0.31, -0.95, 0.0)]

NUM_ELECTRODES = 256
D_MODEL = 128
BATCH = 1024

def _build_positions():
    pos = []
    for i in range(NUM_ELECTRODES):
        if i < len(ELECTRODE_POSITIONS):
            pos.append(ELECTRODE_POSITIONS[i])
        else:
            pos.append((0.0, 0.0, 0.0))
    return jnp.asarray(np.array(pos, dtype=np.float32))

def setup_inputs(seed: int = 0) -> dict:
    key = jax.random.key(seed)
    k1, k2, k3, k4 = jax.random.split(key, 4)
    electrode_indices = jax.random.randint(k1, (BATCH, NUM_ELECTRODES), 0, NUM_ELECTRODES, dtype=jnp.int64 if jax.config.jax_enable_x64 else jnp.int32)
    emb_table = jax.random.normal(k2, (NUM_ELECTRODES, D_MODEL), dtype=jnp.float32)
    proj_W = jax.random.normal(k3, (D_MODEL, 3), dtype=jnp.float32) * (1.0 / np.sqrt(3.0))
    proj_b = jax.random.normal(k4, (D_MODEL,), dtype=jnp.float32) * 0.01
    positions = _build_positions()
    return {"electrode_indices": electrode_indices, "emb_table": emb_table, "proj_W": proj_W, "proj_b": proj_b, "positions": positions}

def reference(electrode_indices, emb_table, proj_W, proj_b, positions):
    # embedding gather
    embeddings = jnp.take(emb_table, electrode_indices, axis=0)  # (B, N, d_model)
    # electrode_indices.ndim == 2 branch of the torch module:
    # positions.unsqueeze(0).expand(B, -1, -1) -> project all electrode positions
    pos_features = positions @ proj_W.T + proj_b  # (N, d_model)
    B = electrode_indices.shape[0]
    pos_features = jnp.broadcast_to(pos_features[None, :, :], (B, positions.shape[0], proj_W.shape[0]))
    return embeddings + pos_features

if __name__ == "__main__":
    import jax
    _d = setup_inputs()
    print(jax.jit(kernel)(*tuple(_d.values())))

</pallas_src>

<mosaic_0001>
#map = affine_map<(d0, d1) -> (0, 0)>
module attributes {stable_mosaic.version = 14 : i64} {
  func.func @k(%arg0: i32, %arg1: i32, %arg2: memref<16384x128xf32, #tpu.memory_space<hbm>>, %arg3: memref<2048x128xi32, #tpu.memory_space<hbm>>, %arg4: memref<262144x128xf32, #tpu.memory_space<hbm>>, %arg5: memref<64x128xi32, #tpu.memory_space<vmem>>, %arg6: memref<7x128x128xf32, #tpu.memory_space<vmem>>, %arg7: memref<!tpu.dma_semaphore, #tpu.memory_space<semaphore_mem>>, %arg8: memref<!tpu.dma_semaphore, #tpu.memory_space<semaphore_mem>>, %arg9: memref<!tpu.dma_semaphore, #tpu.memory_space<semaphore_mem>>, %arg10: memref<!tpu.dma_semaphore, #tpu.memory_space<semaphore_mem>>, %arg11: memref<!tpu.dma_semaphore, #tpu.memory_space<semaphore_mem>>, %arg12: memref<!tpu.dma_semaphore, #tpu.memory_space<semaphore_mem>>, %arg13: memref<!tpu.dma_semaphore, #tpu.memory_space<semaphore_mem>>, %arg14: memref<!tpu.dma_semaphore, #tpu.memory_space<semaphore_mem>>, %arg15: memref<!tpu.dma_semaphore, #tpu.memory_space<semaphore_mem>>, %arg16: memref<!tpu.dma_semaphore, #tpu.memory_space<semaphore_mem>>, %arg17: memref<!tpu.dma_semaphore, #tpu.memory_space<semaphore_mem>>, %arg18: memref<!tpu.dma_semaphore, #tpu.memory_space<semaphore_mem>>, %arg19: memref<!tpu.dma_semaphore, #tpu.memory_space<semaphore_mem>>, %arg20: memref<!tpu.dma_semaphore, #tpu.memory_space<semaphore_mem>>) attributes {dimension_semantics = [#tpu.dimension_semantics<core_parallel>, #tpu.dimension_semantics<subcore_parallel>], iteration_bounds = array<i64: 2, 16>, scalar_prefetch = 0 : i64, scratch_operands = 16 : i64, tpu.core_type = #tpu.core_type<sc_vector_subcore>, window_params = [{transform_indices = #map}, {transform_indices = #map}, {transform_indices = #map}]} {
    %mul3A = arith.constant 2 : i32
    %mul3A_0 = arith.muli %arg1, %mul3A : i32
    %add3A = arith.addi %mul3A_0, %arg0 : i32
    %mul3A_1 = arith.constant 64 : i32
    %mul3A_2 = arith.muli %add3A, %mul3A_1 : i32
    "tpu.region"() ({
      %run_scoped3A = tpu.sem_alloc : memref<!tpu.dma_semaphore, #tpu.memory_space<semaphore_mem>>
      %dma_start3A_464 = arith.constant 0 : i32
      %dma_start3A_465 = tpu.memref_slice %arg3[%mul3A_2, %dma_start3A_464] : memref<2048x128xi32, #tpu.memory_space<hbm>> -> memref<64x128xi32, #tpu.memory_space<hbm>>
      %dma_start3A_466 = arith.constant 0 : i32
      %dma_start3A_467 = tpu.memref_slice %arg3[%mul3A_2, %dma_start3A_466] : memref<2048x128xi32, #tpu.memory_space<hbm>> -> memref<64x128xi32, #tpu.memory_space<hbm>>
      tpu.enqueue_dma source(%dma_start3A_467 : memref<64x128xi32, #tpu.memory_space<hbm>>) target(%arg5 : memref<64x128xi32, #tpu.memory_space<vmem>>) target_semaphore(%run_scoped3A : memref<!tpu.dma_semaphore, #tpu.memory_space<semaphore_mem>>)
      %dma_wait3A_468 = arith.constant 0 : i32
      %dma_wait3A_469 = tpu.memref_slice %arg3[%mul3A_2, %dma_wait3A_468] : memref<2048x128xi32, #tpu.memory_space<hbm>> -> memref<64x128xi32, #tpu.memory_space<hbm>>
      %dma_wait3A_470 = arith.constant 0 : i32
      %dma_wait3A_471 = tpu.memref_slice %arg3[%mul3A_2, %dma_wait3A_470] : memref<2048x128xi32, #tpu.memory_space<hbm>> -> memref<64x128xi32, #tpu.memory_space<hbm>>
      tpu.wait_dma2 semaphore(%run_scoped3A : memref<!tpu.dma_semaphore, #tpu.memory_space<semaphore_mem>>) src(%dma_wait3A_471 : memref<64x128xi32, #tpu.memory_space<hbm>>) dst(%arg5 : memref<64x128xi32, #tpu.memory_space<vmem>>)
      tpu.yield
    }) : () -> ()
    %mul3A_3 = arith.constant 8192 : i32
    %mul3A_4 = arith.muli %add3A, %mul3A_3 : i32
    %dma_start3A = arith.constant 0 : i32
    %dma_start3A_5 = arith.constant 0 : i32
    %dma_start3A_6 = arith.constant 0 : i32
    %dma_start3A_7 = arith.constant 0 : i32
    %dma_start3A_8 = tpu.memref_slice %arg6[%dma_start3A_5, %dma_start3A_6, %dma_start3A_7] : memref<7x128x128xf32, #tpu.memory_space<vmem>> -> memref<1x128x128xf32, #tpu.memory_space<vmem>>
    %dma_start3A_9 = tpu.memref_squeeze %dma_start3A_8 : memref<1x128x128xf32, #tpu.memory_space<vmem>> -> memref<128x128xf32, #tpu.memory_space<vmem>>
    %dma_start3A_10 = arith.constant 0 : i32
    %dma_start3A_11 = tpu.memref_slice %arg5[%dma_start3A, %dma_start3A_10] : memref<64x128xi32, #tpu.memory_space<vmem>> -> memref<1x128xi32, #tpu.memory_space<vmem>>
    %dma_start3A_12 = tpu.memref_squeeze %dma_start3A_11 : memref<1x128xi32, #tpu.memory_space<vmem>> -> memref<128xi32, #tpu.memory_space<vmem>>
    %dma_start3A_13 = arith.constant 0 : i32
    %dma_start3A_14 = arith.constant 0 : i32
    %dma_start3A_15 = tpu.memref_slice %arg2[%dma_start3A_13, %dma_start3A_14] : memref<16384x128xf32, #tpu.memory_space<hbm>> -> memref<16384x128xf32, #tpu.memory_space<hbm>>
    tpu.enqueue_indirect_dma source(%dma_start3A_15 : memref<16384x128xf32, #tpu.memory_space<hbm>>) target(%dma_start3A_9 : memref<128x128xf32, #tpu.memory_space<vmem>>) offsets(%dma_start3A_12 : memref<128xi32, #tpu.memory_space<vmem>>) semaphore(%arg7 : memref<!tpu.dma_semaphore, #tpu.memory_space<semaphore_mem>>)
    %dma_start3A_16 = arith.constant 1 : i32
    %dma_start3A_17 = arith.constant 1 : i32
    %dma_start3A_18 = arith.constant 0 : i32
    %dma_start3A_19 = arith.constant 0 : i32
    %dma_start3A_20 = tpu.memref_slice %arg6[%dma_start3A_17, %dma_start3A_18, %dma_start3A_19] : memref<7x128x128xf32, #tpu.memory_space<vmem>> -> memref<1x128x128xf32, #tpu.memory_space<vmem>>
    %dma_start3A_21 = tpu.memref_squeeze %dma_start3A_20 : memref<1x128x128xf32, #tpu.memory_space<vmem>> -> memref<128x128xf32, #tpu.memory_space<vmem>>
    %dma_start3A_22 = arith.constant 0 : i32
    %dma_start3A_23 = tpu.memref_slice %arg5[%dma_start3A_16, %dma_start3A_22] : memref<64x128xi32, #tpu.memory_space<vmem>> -> memref<1x128xi32, #tpu.memory_space<vmem>>
    %dma_start3A_24 = tpu.memref_squeeze %dma_start3A_23 : memref<1x128xi32, #tpu.memory_space<vmem>> -> memref<128xi32, #tpu.memory_space<vmem>>
    %dma_start3A_25 = arith.constant 0 : i32
    %dma_start3A_26 = arith.constant 0 : i32
    %dma_start3A_27 = tpu.memref_slice %arg2[%dma_start3A_25, %dma_start3A_26] : memref<16384x128xf32, #tpu.memory_space<hbm>> -> memref<16384x128xf32, #tpu.memory_space<hbm>>
    tpu.enqueue_indirect_dma source(%dma_start3A_27 : memref<16384x128xf32, #tpu.memory_space<hbm>>) target(%dma_start3A_21 : memref<128x128xf32, #tpu.memory_space<vmem>>) offsets(%dma_start3A_24 : memref<128xi32, #tpu.memory_space<vmem>>) semaphore(%arg8 : memref<!tpu.dma_semaphore, #tpu.memory_space<semaphore_mem>>)
    %dma_start3A_28 = arith.constant 2 : i32
    %dma_start3A_29 = arith.constant 2 : i32
    %dma_start3A_30 = arith.constant 0 : i32
    %dma_start3A_31 = arith.constant 0 : i32
    %dma_start3A_32 = tpu.memref_slice %arg6[%dma_start3A_29, %dma_start3A_30, %dma_start3A_31] : memref<7x128x128xf32, #tpu.memory_space<vmem>> -> memref<1x128x128xf32, #tpu.memory_space<vmem>>
    %dma_start3A_33 = tpu.memref_squeeze %dma_start3A_32 : memref<1x128x128xf32, #tpu.memory_space<vmem>> -> memref<128x128xf32, #tpu.memory_space<vmem>>
    %dma_start3A_34 = arith.constant 0 : i32
    %dma_start3A_35 = tpu.memref_slice %arg5[%dma_start3A_28, %dma_start3A_34] : memref<64x128xi32, #tpu.memory_space<vmem>> -> memref<1x128xi32, #tpu.memory_space<vmem>>
    %dma_start3A_36 = tpu.memref_squeeze %dma_start3A_35 : memref<1x128xi32, #tpu.memory_space<vmem>> -> memref<128xi32, #tpu.memory_space<vmem>>
    %dma_start3A_37 = arith.constant 0 : i32
    %dma_start3A_38 = arith.constant 0 : i32
    %dma_start3A_39 = tpu.memref_slice %arg2[%dma_start3A_37, %dma_start3A_38] : memref<16384x128xf32, #tpu.memory_space<hbm>> -> memref<16384x128xf32, #tpu.memory_space<hbm>>
    tpu.enqueue_indirect_dma source(%dma_start3A_39 : memref<16384x128xf32, #tpu.memory_space<hbm>>) target(%dma_start3A_33 : memref<128x128xf32, #tpu.memory_space<vmem>>) offsets(%dma_start3A_36 : memref<128xi32, #tpu.memory_space<vmem>>) semaphore(%arg9 : memref<!tpu.dma_semaphore, #tpu.memory_space<semaphore_mem>>)
    %dma_start3A_40 = arith.constant 3 : i32
    %dma_start3A_41 = arith.constant 3 : i32
    %dma_start3A_42 = arith.constant 0 : i32
    %dma_start3A_43 = arith.constant 0 : i32
    %dma_start3A_44 = tpu.memref_slice %arg6[%dma_start3A_41, %dma_start3A_42, %dma_start3A_43] : memref<7x128x128xf32, #tpu.memory_space<vmem>> -> memref<1x128x128xf32, #tpu.memory_space<vmem>>
    %dma_start3A_45 = tpu.memref_squeeze %dma_start3A_44 : memref<1x128x128xf32, #tpu.memory_space<vmem>> -> memref<128x128xf32, #tpu.memory_space<vmem>>
    %dma_start3A_46 = arith.constant 0 : i32
    %dma_start3A_47 = tpu.memref_slice %arg5[%dma_start3A_40, %dma_start3A_46] : memref<64x128xi32, #tpu.memory_space<vmem>> -> memref<1x128xi32, #tpu.memory_space<vmem>>
    %dma_start3A_48 = tpu.memref_squeeze %dma_start3A_47 : memref<1x128xi32, #tpu.memory_space<vmem>> -> memref<128xi32, #tpu.memory_space<vmem>>
    %dma_start3A_49 = arith.constant 0 : i32
    %dma_start3A_50 = arith.constant 0 : i32
    %dma_start3A_51 = tpu.memref_slice %arg2[%dma_start3A_49, %dma_start3A_50] : memref<16384x128xf32, #tpu.memory_space<hbm>> -> memref<16384x128xf32, #tpu.memory_space<hbm>>
    tpu.enqueue_indirect_dma source(%dma_start3A_51 : memref<16384x128xf32, #tpu.memory_space<hbm>>) target(%dma_start3A_45 : memref<128x128xf32, #tpu.memory_space<vmem>>) offsets(%dma_start3A_48 : memref<128xi32, #tpu.memory_space<vmem>>) semaphore(%arg10 : memref<!tpu.dma_semaphore, #tpu.memory_space<semaphore_mem>>)
    %dma_wait3A = arith.constant 0 : i32
    %dma_wait3A_52 = arith.constant 0 : i32
    %dma_wait3A_53 = arith.constant 0 : i32
    %dma_wait3A_54 = tpu.memref_slice %arg6[%dma_wait3A, %dma_wait3A_52, %dma_wait3A_53] : memref<7x128x128xf32, #tpu.memory_space<vmem>> -> memref<1x128x128xf32, #tpu.memory_space<vmem>>
    %dma_wait3A_55 = tpu.memref_squeeze %dma_wait3A_54 : memref<1x128x128xf32, #tpu.memory_space<vmem>> -> memref<128x128xf32, #tpu.memory_space<vmem>>
    %dma_wait3A_56 = arith.constant 0 : i32
    %dma_wait3A_57 = arith.constant 0 : i32
    %dma_wait3A_58 = tpu.memref_slice %arg2[%dma_wait3A_56, %dma_wait3A_57] : memref<16384x128xf32, #tpu.memory_space<hbm>> -> memref<128x128xf32, #tpu.memory_space<hbm>>
    %dma_wait3A_59 = arith.constant 0 : i32
    %dma_wait3A_60 = arith.constant 0 : i32
    %dma_wait3A_61 = tpu.memref_slice %arg6[%dma_wait3A, %dma_wait3A_59, %dma_wait3A_60] : memref<7x128x128xf32, #tpu.memory_space<vmem>> -> memref<1x128x128xf32, #tpu.memory_space<vmem>>
    %dma_wait3A_62 = tpu.memref_squeeze %dma_wait3A_61 : memref<1x128x128xf32, #tpu.memory_space<vmem>> -> memref<128x128xf32, #tpu.memory_space<vmem>>
    %dma_wait3A_63 = arith.constant 0 : i32
    %dma_wait3A_64 = arith.constant 0 : i32
    %dma_wait3A_65 = tpu.memref_slice %arg2[%dma_wait3A_63, %dma_wait3A_64] : memref<16384x128xf32, #tpu.memory_space<hbm>> -> memref<128x128xf32, #tpu.memory_space<hbm>>
    tpu.wait_dma2 semaphore(%arg7 : memref<!tpu.dma_semaphore, #tpu.memory_space<semaphore_mem>>) src(%dma_wait3A_65 : memref<128x128xf32, #tpu.memory_space<hbm>>) dst(%dma_wait3A_62 : memref<128x128xf32, #tpu.memory_space<vmem>>)
    %add3A_66 = arith.constant 0 : i32
    %add3A_67 = arith.addi %mul3A_4, %add3A_66 : i32
    %dma_start3A_68 = arith.constant 0 : i32
    %dma_start3A_69 = arith.constant 0 : i32
    %dma_start3A_70 = arith.constant 0 : i32
    %dma_start3A_71 = tpu.memref_slice %arg6[%dma_start3A_68, %dma_start3A_69, %dma_start3A_70] : memref<7x128x128xf32, #tpu.memory_space<vmem>> -> memref<1x128x128xf32, #tpu.memory_space<vmem>>
    %dma_start3A_72 = tpu.memref_squeeze %dma_start3A_71 : memref<1x128x128xf32, #tpu.memory_space<vmem>> -> memref<128x128xf32, #tpu.memory_space<vmem>>
    %dma_start3A_73 = arith.constant 0 : i32
    %dma_start3A_74 = tpu.memref_slice %arg4[%add3A_67, %dma_start3A_73] : memref<262144x128xf32, #tpu.memory_space<hbm>> -> memref<128x128xf32, #tpu.memory_space<hbm>>
    %dma_start3A_75 = arith.constant 0 : i32
    %dma_start3A_76 = tpu.memref_slice %arg4[%add3A_67, %dma_start3A_75] : memref<262144x128xf32, #tpu.memory_space<hbm>> -> memref<128x128xf32, #tpu.memory_space<hbm>>
    %dma_start3A_77 = arith.constant 0 : i32
    %dma_start3A_78 = arith.constant 0 : i32
    %dma_start3A_79 = tpu.memref_slice %arg6[%dma_start3A_68, %dma_start3A_77, %dma_start3A_78] : memref<7x128x128xf32, #tpu.memory_space<vmem>> -> memref<1x128x128xf32, #tpu.memory_space<vmem>>
    %dma_start3A_80 = tpu.memref_squeeze %dma_start3A_79 : memref<1x128x128xf32, #tpu.memory_space<vmem>> -> memref<128x128xf32, #tpu.memory_space<vmem>>
    tpu.enqueue_dma source(%dma_start3A_80 : memref<128x128xf32, #tpu.memory_space<vmem>>) target(%dma_start3A_76 : memref<128x128xf32, #tpu.memory_space<hbm>>) target_semaphore(%arg14 : memref<!tpu.dma_semaphore, #tpu.memory_space<semaphore_mem>>)
    %dma_start3A_81 = arith.constant 4 : i32
    %dma_start3A_82 = arith.constant 4 : i32
    %dma_start3A_83 = arith.constant 0 : i32
    %dma_start3A_84 = arith.constant 0 : i32
    %dma_start3A_85 = tpu.memref_slice %arg6[%dma_start3A_82, %dma_start3A_83, %dma_start3A_84] : memref<7x128x128xf32, #tpu.memory_space<vmem>> -> memref<1x128x128xf32, #tpu.memory_space<vmem>>
    %dma_start3A_86 = tpu.memref_squeeze %dma_start3A_85 : memref<1x128x128xf32, #tpu.memory_space<vmem>> -> memref<128x128xf32, #tpu.memory_space<vmem>>
    %dma_start3A_87 = arith.constant 0 : i32
    %dma_start3A_88 = tpu.memref_slice %arg5[%dma_start3A_81, %dma_start3A_87] : memref<64x128xi32, #tpu.memory_space<vmem>> -> memref<1x128xi32, #tpu.memory_space<vmem>>
    %dma_start3A_89 = tpu.memref_squeeze %dma_start3A_88 : memref<1x128xi32, #tpu.memory_space<vmem>> -> memref<128xi32, #tpu.memory_space<vmem>>
    %dma_start3A_90 = arith.constant 0 : i32
    %dma_start3A_91 = arith.constant 0 : i32
    %dma_start3A_92 = tpu.memref_slice %arg2[%dma_start3A_90, %dma_start3A_91] : memref<16384x128xf32, #tpu.memory_space<hbm>> -> memref<16384x128xf32, #tpu.memory_space<hbm>>
    tpu.enqueue_indirect_dma source(%dma_start3A_92 : memref<16384x128xf32, #tpu.memory_space<hbm>>) target(%dma_start3A_86 : memref<128x128xf32, #tpu.memory_space<vmem>>) offsets(%dma_start3A_89 : memref<128xi32, #tpu.memory_space<vmem>>) semaphore(%arg11 : memref<!tpu.dma_semaphore, #tpu.memory_space<semaphore_mem>>)
    %dma_wait3A_93 = arith.constant 1 : i32
    %dma_wait3A_94 = arith.constant 0 : i32
    %dma_wait3A_95 = arith.constant 0 : i32
    %dma_wait3A_96 = tpu.memref_slice %arg6[%dma_wait3A_93, %dma_wait3A_94, %dma_wait3A_95] : memref<7x128x128xf32, #tpu.memory_space<vmem>> -> memref<1x128x128xf32, #tpu.memory_space<vmem>>
    %dma_wait3A_97 = tpu.memref_squeeze %dma_wait3A_96 : memref<1x128x128xf32, #tpu.memory_space<vmem>> -> memref<128x128xf32, #tpu.memory_space<vmem>>
    %dma_wait3A_98 = arith.constant 0 : i32
    %dma_wait3A_99 = arith.constant 0 : i32
    %dma_wait3A_100 = tpu.memref_slice %arg2[%dma_wait3A_98, %dma_wait3A_99] : memref<16384x128xf32, #tpu.memory_space<hbm>> -> memref<128x128xf32, #tpu.memory_space<hbm>>
    %dma_wait3A_101 = arith.constant 0 : i32
    %dma_wait3A_102 = arith.constant 0 : i32
    %dma_wait3A_103 = tpu.memref_slice %arg6[%dma_wait3A_93, %dma_wait3A_101, %dma_wait3A_102] : memref<7x128x128xf32, #tpu.memory_space<vmem>> -> memref<1x128x128xf32, #tpu.memory_space<vmem>>
    %dma_wait3A_104 = tpu.memref_squeeze %dma_wait3A_103 : memref<1x128x128xf32, #tpu.memory_space<vmem>> -> memref<128x128xf32, #tpu.memory_space<vmem>>
    %dma_wait3A_105 = arith.constant 0 : i32
    %dma_wait3A_106 = arith.constant 0 : i32
    %dma_wait3A_107 = tpu.memref_slice %arg2[%dma_wait3A_105, %dma_wait3A_106] : memref<16384x128xf32, #tpu.memory_space<hbm>> -> memref<128x128xf32, #tpu.memory_space<hbm>>
    tpu.wait_dma2 semaphore(%arg8 : memref<!tpu.dma_semaphore, #tpu.memory_space<semaphore_mem>>) src(%dma_wait3A_107 : memref<128x128xf32, #tpu.memory_space<hbm>>) dst(%dma_wait3A_104 : memref<128x128xf32, #tpu.memory_space<vmem>>)
    %add3A_108 = arith.constant 128 : i32
    %add3A_109 = arith.addi %mul3A_4, %add3A_108 : i32
    %dma_start3A_110 = arith.constant 1 : i32
    %dma_start3A_111 = arith.constant 0 : i32
    %dma_start3A_112 = arith.constant 0 : i32
    %dma_start3A_113 = tpu.memref_slice %arg6[%dma_start3A_110, %dma_start3A_111, %dma_start3A_112] : memref<7x128x128xf32, #tpu.memory_space<vmem>> -> memref<1x128x128xf32, #tpu.memory_space<vmem>>
    %dma_start3A_114 = tpu.memref_squeeze %dma_start3A_113 : memref<1x128x128xf32, #tpu.memory_space<vmem>> -> memref<128x128xf32, #tpu.memory_space<vmem>>
    %dma_start3A_115 = arith.constant 0 : i32
    %dma_start3A_116 = tpu.memref_slice %arg4[%add3A_109, %dma_start3A_115] : memref<262144x128xf32, #tpu.memory_space<hbm>> -> memref<128x128xf32, #tpu.memory_space<hbm>>
    %dma_start3A_117 = arith.constant 0 : i32
    %dma_start3A_118 = tpu.memref_slice %arg4[%add3A_109, %dma_start3A_117] : memref<262144x128xf32, #tpu.memory_space<hbm>> -> memref<128x128xf32, #tpu.memory_space<hbm>>
    %dma_start3A_119 = arith.constant 0 : i32
    %dma_start3A_120 = arith.constant 0 : i32
    %dma_start3A_121 = tpu.memref_slice %arg6[%dma_start3A_110, %dma_start3A_119, %dma_start3A_120] : memref<7x128x128xf32, #tpu.memory_space<vmem>> -> memref<1x128x128xf32, #tpu.memory_space<vmem>>
    %dma_start3A_122 = tpu.memref_squeeze %dma_start3A_121 : memref<1x128x128xf32, #tpu.memory_space<vmem>> -> memref<128x128xf32, #tpu.memory_space<vmem>>
    tpu.enqueue_dma source(%dma_start3A_122 : memref<128x128xf32, #tpu.memory_space<vmem>>) target(%dma_start3A_118 : memref<128x128xf32, #tpu.memory_space<hbm>>) target_semaphore(%arg15 : memref<!tpu.dma_semaphore, #tpu.memory_space<semaphore_mem>>)
    %dma_start3A_123 = arith.constant 5 : i32
    %dma_start3A_124 = arith.constant 5 : i32
    %dma_start3A_125 = arith.constant 0 : i32
    %dma_start3A_126 = arith.constant 0 : i32
    %dma_start3A_127 = tpu.memref_slice %arg6[%dma_start3A_124, %dma_start3A_125, %dma_start3A_126] : memref<7x128x128xf32, #tpu.memory_space<vmem>> -> memref<1x128x128xf32, #tpu.memory_space<vmem>>
    %dma_start3A_128 = tpu.memref_squeeze %dma_start3A_127 : memref<1x128x128xf32, #tpu.memory_space<vmem>> -> memref<128x128xf32, #tpu.memory_space<vmem>>
    %dma_start3A_129 = arith.constant 0 : i32
    %dma_start3A_130 = tpu.memref_slice %arg5[%dma_start3A_123, %dma_start3A_129] : memref<64x128xi32, #tpu.memory_space<vmem>> -> memref<1x128xi32, #tpu.memory_space<vmem>>
    %dma_start3A_131 = tpu.memref_squeeze %dma_start3A_130 : memref<1x128xi32, #tpu.memory_space<vmem>> -> memref<128xi32, #tpu.memory_space<vmem>>
    %dma_start3A_132 = arith.constant 0 : i32
    %dma_start3A_133 = arith.constant 0 : i32
    %dma_start3A_134 = tpu.memref_slice %arg2[%dma_start3A_132, %dma_start3A_133] : memref<16384x128xf32, #tpu.memory_space<hbm>> -> memref<16384x128xf32, #tpu.memory_space<hbm>>
    tpu.enqueue_indirect_dma source(%dma_start3A_134 : memref<16384x128xf32, #tpu.memory_space<hbm>>) target(%dma_start3A_128 : memref<128x128xf32, #tpu.memory_space<vmem>>) offsets(%dma_start3A_131 : memref<128xi32, #tpu.memory_space<vmem>>) semaphore(%arg12 : memref<!tpu.dma_semaphore, #tpu.memory_space<semaphore_mem>>)
    %dma_wait3A_135 = arith.constant 2 : i32
    %dma_wait3A_136 = arith.constant 0 : i32
    %dma_wait3A_137 = arith.constant 0 : i32
    %dma_wait3A_138 = tpu.memref_slice %arg6[%dma_wait3A_135, %dma_wait3A_136, %dma_wait3A_137] : memref<7x128x128xf32, #tpu.memory_space<vmem>> -> memref<1x128x128xf32, #tpu.memory_space<vmem>>
    %dma_wait3A_139 = tpu.memref_squeeze %dma_wait3A_138 : memref<1x128x128xf32, #tpu.memory_space<vmem>> -> memref<128x128xf32, #tpu.memory_space<vmem>>
    %dma_wait3A_140 = arith.constant 0 : i32
    %dma_wait3A_141 = arith.constant 0 : i32
    %dma_wait3A_142 = tpu.memref_slice %arg2[%dma_wait3A_140, %dma_wait3A_141] : memref<16384x128xf32, #tpu.memory_space<hbm>> -> memref<128x128xf32, #tpu.memory_space<hbm>>
    %dma_wait3A_143 = arith.constant 0 : i32
    %dma_wait3A_144 = arith.constant 0 : i32
    %dma_wait3A_145 = tpu.memref_slice %arg6[%dma_wait3A_135, %dma_wait3A_143, %dma_wait3A_144] : memref<7x128x128xf32, #tpu.memory_space<vmem>> -> memref<1x128x128xf32, #tpu.memory_space<vmem>>
    %dma_wait3A_146 = tpu.memref_squeeze %dma_wait3A_145 : memref<1x128x128xf32, #tpu.memory_space<vmem>> -> memref<128x128xf32, #tpu.memory_space<vmem>>
    %dma_wait3A_147 = arith.constant 0 : i32
    %dma_wait3A_148 = arith.constant 0 : i32
    %dma_wait3A_149 = tpu.memref_slice %arg2[%dma_wait3A_147, %dma_wait3A_148] : memref<16384x128xf32, #tpu.memory_space<hbm>> -> memref<128x128xf32, #tpu.memory_space<hbm>>
    tpu.wait_dma2 semaphore(%arg9 : memref<!tpu.dma_semaphore, #tpu.memory_space<semaphore_mem>>) src(%dma_wait3A_149 : memref<128x128xf32, #tpu.memory_space<hbm>>) dst(%dma_wait3A_146 : memref<128x128xf32, #tpu.memory_space<vmem>>)
    %add3A_150 = arith.constant 256 : i32
    %add3A_151 = arith.addi %mul3A_4, %add3A_150 : i32
    %dma_start3A_152 = arith.constant 2 : i32
    %dma_start3A_153 = arith.constant 0 : i32
    %dma_start3A_154 = arith.constant 0 : i32
    %dma_start3A_155 = tpu.memref_slice %arg6[%dma_start3A_152, %dma_start3A_153, %dma_start3A_154] : memref<7x128x128xf32, #tpu.memory_space<vmem>> -> memref<1x128x128xf32, #tpu.memory_space<vmem>>
    %dma_start3A_156 = tpu.memref_squeeze %dma_start3A_155 : memref<1x128x128xf32, #tpu.memory_space<vmem>> -> memref<128x128xf32, #tpu.memory_space<vmem>>
    %dma_start3A_157 = arith.constant 0 : i32
    %dma_start3A_158 = tpu.memref_slice %arg4[%add3A_151, %dma_start3A_157] : memref<262144x128xf32, #tpu.memory_space<hbm>> -> memref<128x128xf32, #tpu.memory_space<hbm>>
    %dma_start3A_159 = arith.constant 0 : i32
    %dma_start3A_160 = tpu.memref_slice %arg4[%add3A_151, %dma_start3A_159] : memref<262144x128xf32, #tpu.memory_space<hbm>> -> memref<128x128xf32, #tpu.memory_space<hbm>>
    %dma_start3A_161 = arith.constant 0 : i32
    %dma_start3A_162 = arith.constant 0 : i32
    %dma_start3A_163 = tpu.memref_slice %arg6[%dma_start3A_152, %dma_start3A_161, %dma_start3A_162] : memref<7x128x128xf32, #tpu.memory_space<vmem>> -> memref<1x128x128xf32, #tpu.memory_space<vmem>>
    %dma_start3A_164 = tpu.memref_squeeze %dma_start3A_163 : memref<1x128x128xf32, #tpu.memory_space<vmem>> -> memref<128x128xf32, #tpu.memory_space<vmem>>
    tpu.enqueue_dma source(%dma_start3A_164 : memref<128x128xf32, #tpu.memory_space<vmem>>) target(%dma_start3A_160 : memref<128x128xf32, #tpu.memory_space<hbm>>) target_semaphore(%arg16 : memref<!tpu.dma_semaphore, #tpu.memory_space<semaphore_mem>>)
    %dma_start3A_165 = arith.constant 6 : i32
    %dma_start3A_166 = arith.constant 6 : i32
    %dma_start3A_167 = arith.constant 0 : i32
    %dma_start3A_168 = arith.constant 0 : i32
    %dma_start3A_169 = tpu.memref_slice %arg6[%dma_start3A_166, %dma_start3A_167, %dma_start3A_168] : memref<7x128x128xf32, #tpu.memory_space<vmem>> -> memref<1x128x128xf32, #tpu.memory_space<vmem>>
    %dma_start3A_170 = tpu.memref_squeeze %dma_start3A_169 : memref<1x128x128xf32, #tpu.memory_space<vmem>> -> memref<128x128xf32, #tpu.memory_space<vmem>>
    %dma_start3A_171 = arith.constant 0 : i32
    %dma_start3A_172 = tpu.memref_slice %arg5[%dma_start3A_165, %dma_start3A_171] : memref<64x128xi32, #tpu.memory_space<vmem>> -> memref<1x128xi32, #tpu.memory_space<vmem>>
    %dma_start3A_173 = tpu.memref_squeeze %dma_start3A_172 : memref<1x128xi32, #tpu.memory_space<vmem>> -> memref<128xi32, #tpu.memory_space<vmem>>
    %dma_start3A_174 = arith.constant 0 : i32
    %dma_start3A_175 = arith.constant 0 : i32
    %dma_start3A_176 = tpu.memref_slice %arg2[%dma_start3A_174, %dma_start3A_175] : memref<16384x128xf32, #tpu.memory_space<hbm>> -> memref<16384x128xf32, #tpu.memory_space<hbm>>
    tpu.enqueue_indirect_dma source(%dma_start3A_176 : memref<16384x128xf32, #tpu.memory_space<hbm>>) target(%dma_start3A_170 : memref<128x128xf32, #tpu.memory_space<vmem>>) offsets(%dma_start3A_173 : memref<128xi32, #tpu.memory_space<vmem>>) semaphore(%arg13 : memref<!tpu.dma_semaphore, #tpu.memory_space<semaphore_mem>>)
    %dma_wait3A_177 = arith.constant 3 : i32
    %dma_wait3A_178 = arith.constant 0 : i32
    %dma_wait3A_179 = arith.constant 0 : i32
    %dma_wait3A_180 = tpu.memref_slice %arg6[%dma_wait3A_177, %dma_wait3A_178, %dma_wait3A_179] : memref<7x128x128xf32, #tpu.memory_space<vmem>> -> memref<1x128x128xf32, #tpu.memory_space<vmem>>
    %dma_wait3A_181 = tpu.memref_squeeze %dma_wait3A_180 : memref<1x128x128xf32, #tpu.memory_space<vmem>> -> memref<128x128xf32, #tpu.memory_space<vmem>>
    %dma_wait3A_182 = arith.constant 0 : i32
    %dma_wait3A_183 = arith.constant 0 : i32
    %dma_wait3A_184 = tpu.memref_slice %arg2[%dma_wait3A_182, %dma_wait3A_183] : memref<16384x128xf32, #tpu.memory_space<hbm>> -> memref<128x128xf32, #tpu.memory_space<hbm>>
    %dma_wait3A_185 = arith.constant 0 : i32
    %dma_wait3A_186 = arith.constant 0 : i32
    %dma_wait3A_187 = tpu.memref_slice %arg6[%dma_wait3A_177, %dma_wait3A_185, %dma_wait3A_186] : memref<7x128x128xf32, #tpu.memory_space<vmem>> -> memref<1x128x128xf32, #tpu.memory_space<vmem>>
    %dma_wait3A_188 = tpu.memref_squeeze %dma_wait3A_187 : memref<1x128x128xf32, #tpu.memory_space<vmem>> -> memref<128x128xf32, #tpu.memory_space<vmem>>
    %dma_wait3A_189 = arith.constant 0 : i32
    %dma_wait3A_190 = arith.constant 0 : i32
    %dma_wait3A_191 = tpu.memref_slice %arg2[%dma_wait3A_189, %dma_wait3A_190] : memref<16384x128xf32, #tpu.memory_space<hbm>> -> memref<128x128xf32, #tpu.memory_space<hbm>>
    tpu.wait_dma2 semaphore(%arg10 : memref<!tpu.dma_semaphore, #tpu.memory_space<semaphore_mem>>) src(%dma_wait3A_191 : memref<128x128xf32, #tpu.memory_space<hbm>>) dst(%dma_wait3A_188 : memref<128x128xf32, #tpu.memory_space<vmem>>)
    %add3A_192 = arith.constant 384 : i32
    %add3A_193 = arith.addi %mul3A_4, %add3A_192 : i32
    %dma_start3A_194 = arith.constant 3 : i32
    %dma_start3A_195 = arith.constant 0 : i32
    %dma_start3A_196 = arith.constant 0 : i32
    %dma_start3A_197 = tpu.memref_slice %arg6[%dma_start3A_194, %dma_start3A_195, %dma_start3A_196] : memref<7x128x128xf32, #tpu.memory_space<vmem>> -> memref<1x128x128xf32, #tpu.memory_space<vmem>>
    %dma_start3A_198 = tpu.memref_squeeze %dma_start3A_197 : memref<1x128x128xf32, #tpu.memory_space<vmem>> -> memref<128x128xf32, #tpu.memory_space<vmem>>
    %dma_start3A_199 = arith.constant 0 : i32
    %dma_start3A_200 = tpu.memref_slice %arg4[%add3A_193, %dma_start3A_199] : memref<262144x128xf32, #tpu.memory_space<hbm>> -> memref<128x128xf32, #tpu.memory_space<hbm>>
    %dma_start3A_201 = arith.constant 0 : i32
    %dma_start3A_202 = tpu.memref_slice %arg4[%add3A_193, %dma_start3A_201] : memref<262144x128xf32, #tpu.memory_space<hbm>> -> memref<128x128xf32, #tpu.memory_space<hbm>>
    %dma_start3A_203 = arith.constant 0 : i32
    %dma_start3A_204 = arith.constant 0 : i32
    %dma_start3A_205 = tpu.memref_slice %arg6[%dma_start3A_194, %dma_start3A_203, %dma_start3A_204] : memref<7x128x128xf32, #tpu.memory_space<vmem>> -> memref<1x128x128xf32, #tpu.memory_space<vmem>>
    %dma_start3A_206 = tpu.memref_squeeze %dma_start3A_205 : memref<1x128x128xf32, #tpu.memory_space<vmem>> -> memref<128x128xf32, #tpu.memory_space<vmem>>
    tpu.enqueue_dma source(%dma_start3A_206 : memref<128x128xf32, #tpu.memory_space<vmem>>) target(%dma_start3A_202 : memref<128x128xf32, #tpu.memory_space<hbm>>) target_semaphore(%arg17 : memref<!tpu.dma_semaphore, #tpu.memory_space<semaphore_mem>>)
    %dma_wait3A_207 = arith.constant 0 : i32
    %dma_wait3A_208 = arith.constant 0 : i32
    %dma_wait3A_209 = arith.constant 0 : i32
    %dma_wait3A_210 = tpu.memref_slice %arg6[%dma_wait3A_207, %dma_wait3A_208, %dma_wait3A_209] : memref<7x128x128xf32, #tpu.memory_space<vmem>> -> memref<1x128x128xf32, #tpu.memory_space<vmem>>
    %dma_wait3A_211 = tpu.memref_squeeze %dma_wait3A_210 : memref<1x128x128xf32, #tpu.memory_space<vmem>> -> memref<128x128xf32, #tpu.memory_space<vmem>>
    %dma_wait3A_212 = arith.constant 0 : i32
    %dma_wait3A_213 = arith.constant 0 : i32
    %dma_wait3A_214 = tpu.memref_slice %arg4[%dma_wait3A_212, %dma_wait3A_213] : memref<262144x128xf32, #tpu.memory_space<hbm>> -> memref<128x128xf32, #tpu.memory_space<hbm>>
    %dma_wait3A_215 = arith.constant 0 : i32
    %dma_wait3A_216 = arith.constant 0 : i32
    %dma_wait3A_217 = tpu.memref_slice %arg4[%dma_wait3A_215, %dma_wait3A_216] : memref<262144x128xf32, #tpu.memory_space<hbm>> -> memref<128x128xf32, #tpu.memory_space<hbm>>
    %dma_wait3A_218 = arith.constant 0 : i32
    %dma_wait3A_219 = arith.constant 0 : i32
    %dma_wait3A_220 = tpu.memref_slice %arg6[%dma_wait3A_207, %dma_wait3A_218, %dma_wait3A_219] : memref<7x128x128xf32, #tpu.memory_space<vmem>> -> memref<1x128x128xf32, #tpu.memory_space<vmem>>
    %dma_wait3A_221 = tpu.memref_squeeze %dma_wait3A_220 : memref<1x128x128xf32, #tpu.memory_space<vmem>> -> memref<128x128xf32, #tpu.memory_space<vmem>>
    tpu.wait_dma2 semaphore(%arg14 : memref<!tpu.dma_semaphore, #tpu.memory_space<semaphore_mem>>) src(%dma_wait3A_221 : memref<128x128xf32, #tpu.memory_space<vmem>>) dst(%dma_wait3A_217 : memref<128x128xf32, #tpu.memory_space<hbm>>)
    %dma_start3A_222 = arith.constant 7 : i32
    %dma_start3A_223 = arith.constant 0 : i32
    %dma_start3A_224 = arith.constant 0 : i32
    %dma_start3A_225 = arith.constant 0 : i32
    %dma_start3A_226 = tpu.memref_slice %arg6[%dma_start3A_223, %dma_start3A_224, %dma_start3A_225] : memref<7x128x128xf32, #tpu.memory_space<vmem>> -> memref<1x128x128xf32, #tpu.memory_space<vmem>>
    %dma_start3A_227 = tpu.memref_squeeze %dma_start3A_226 : memref<1x128x128xf32, #tpu.memory_space<vmem>> -> memref<128x128xf32, #tpu.memory_space<vmem>>
    %dma_start3A_228 = arith.constant 0 : i32
    %dma_start3A_229 = tpu.memref_slice %arg5[%dma_start3A_222, %dma_start3A_228] : memref<64x128xi32, #tpu.memory_space<vmem>> -> memref<1x128xi32, #tpu.memory_space<vmem>>
    %dma_start3A_230 = tpu.memref_squeeze %dma_start3A_229 : memref<1x128xi32, #tpu.memory_space<vmem>> -> memref<128xi32, #tpu.memory_space<vmem>>
    %dma_start3A_231 = arith.constant 0 : i32
    %dma_start3A_232 = arith.constant 0 : i32
    %dma_start3A_233 = tpu.memref_slice %arg2[%dma_start3A_231, %dma_start3A_232] : memref<16384x128xf32, #tpu.memory_space<hbm>> -> memref<16384x128xf32, #tpu.memory_space<hbm>>
    tpu.enqueue_indirect_dma source(%dma_start3A_233 : memref<16384x128xf32, #tpu.memory_space<hbm>>) target(%dma_start3A_227 : memref<128x128xf32, #tpu.memory_space<vmem>>) offsets(%dma_start3A_230 : memref<128xi32, #tpu.memory_space<vmem>>) semaphore(%arg7 : memref<!tpu.dma_semaphore, #tpu.memory_space<semaphore_mem>>)
    %dma_wait3A_234 = arith.constant 4 : i32
    %dma_wait3A_235 = arith.constant 0 : i32
    %dma_wait3A_236 = arith.constant 0 : i32
    %dma_wait3A_237 = tpu.memref_slice %arg6[%dma_wait3A_234, %dma_wait3A_235, %dma_wait3A_236] : memref<7x128x128xf32, #tpu.memory_space<vmem>> -> memref<1x128x128xf32, #tpu.memory_space<vmem>>
    %dma_wait3A_238 = tpu.memref_squeeze %dma_wait3A_237 : memref<1x128x128xf32, #tpu.memory_space<vmem>> -> memref<128x128xf32, #tpu.memory_space<vmem>>
    %dma_wait3A_239 = arith.constant 0 : i32
    %dma_wait3A_240 = arith.constant 0 : i32
    %dma_wait3A_241 = tpu.memref_slice %arg2[%dma_wait3A_239, %dma_wait3A_240] : memref<16384x128xf32, #tpu.memory_space<hbm>> -> memref<128x128xf32, #tpu.memory_space<hbm>>
    %dma_wait3A_242 = arith.constant 0 : i32
    %dma_wait3A_243 = arith.constant 0 : i32
    %dma_wait3A_244 = tpu.memref_slice %arg6[%dma_wait3A_234, %dma_wait3A_242, %dma_wait3A_243] : memref<7x128x128xf32, #tpu.memory_space<vmem>> -> memref<1x128x128xf32, #tpu.memory_space<vmem>>
    %dma_wait3A_245 = tpu.memref_squeeze %dma_wait3A_244 : memref<1x128x128xf32, #tpu.memory_space<vmem>> -> memref<128x128xf32, #tpu.memory_space<vmem>>
    %dma_wait3A_246 = arith.constant 0 : i32
    %dma_wait3A_247 = arith.constant 0 : i32
    %dma_wait3A_248 = tpu.memref_slice %arg2[%dma_wait3A_246, %dma_wait3A_247] : memref<16384x128xf32, #tpu.memory_space<hbm>> -> memref<128x128xf32, #tpu.memory_space<hbm>>
    tpu.wait_dma2 semaphore(%arg11 : memref<!tpu.dma_semaphore, #tpu.memory_space<semaphore_mem>>) src(%dma_wait3A_248 : memref<128x128xf32, #tpu.memory_space<hbm>>) dst(%dma_wait3A_245 : memref<128x128xf32, #tpu.memory_space<vmem>>)
    %add3A_249 = arith.constant 512 : i32
    %add3A_250 = arith.addi %mul3A_4, %add3A_249 : i32
    %dma_start3A_251 = arith.constant 4 : i32
    %dma_start3A_252 = arith.constant 0 : i32
    %dma_start3A_253 = arith.constant 0 : i32
    %dma_start3A_254 = tpu.memref_slice %arg6[%dma_start3A_251, %dma_start3A_252, %dma_start3A_253] : memref<7x128x128xf32, #tpu.memory_space<vmem>> -> memref<1x128x128xf32, #tpu.memory_space<vmem>>
    %dma_start3A_255 = tpu.memref_squeeze %dma_start3A_254 : memref<1x128x128xf32, #tpu.memory_space<vmem>> -> memref<128x128xf32, #tpu.memory_space<vmem>>
    %dma_start3A_256 = arith.constant 0 : i32
    %dma_start3A_257 = tpu.memref_slice %arg4[%add3A_250, %dma_start3A_256] : memref<262144x128xf32, #tpu.memory_space<hbm>> -> memref<128x128xf32, #tpu.memory_space<hbm>>
    %dma_start3A_258 = arith.constant 0 : i32
    %dma_start3A_259 = tpu.memref_slice %arg4[%add3A_250, %dma_start3A_258] : memref<262144x128xf32, #tpu.memory_space<hbm>> -> memref<128x128xf32, #tpu.memory_space<hbm>>
    %dma_start3A_260 = arith.constant 0 : i32
    %dma_start3A_261 = arith.constant 0 : i32
    %dma_start3A_262 = tpu.memref_slice %arg6[%dma_start3A_251, %dma_start3A_260, %dma_start3A_261] : memref<7x128x128xf32, #tpu.memory_space<vmem>> -> memref<1x128x128xf32, #tpu.memory_space<vmem>>
    %dma_start3A_263 = tpu.memref_squeeze %dma_start3A_262 : memref<1x128x128xf32, #tpu.memory_space<vmem>> -> memref<128x128xf32, #tpu.memory_space<vmem>>
    tpu.enqueue_dma source(%dma_start3A_263 : memref<128x128xf32, #tpu.memory_space<vmem>>) target(%dma_start3A_259 : memref<128x128xf32, #tpu.memory_space<hbm>>) target_semaphore(%arg18 : memref<!tpu.dma_semaphore, #tpu.memory_space<semaphore_mem>>)
    %scan3A = arith.constant 0 : i32
    %scan3A_264 = arith.constant 0 : i32
    %scan3A_265 = arith.constant 8 : i32
    %scan3A_266 = arith.addi %scan3A_264, %scan3A_265 : i32
    %scan3A_267 = arith.constant 1 : i32
    scf.for %scan3A_464 = %scan3A_264 to %scan3A_266 step %scan3A_267  : i32 {
      %mul3A_465 = arith.constant 7 : i32
      %mul3A_466 = arith.muli %scan3A_464, %mul3A_465 : i32
      %add3A_467 = arith.constant 8 : i32
      %add3A_468 = arith.addi %add3A_467, %mul3A_466 : i32
      %add3A_469 = arith.constant 0 : i32
      %add3A_470 = arith.addi %add3A_468, %add3A_469 : i32
      %dma_wait3A_471 = arith.constant 1 : i32
      %dma_wait3A_472 = arith.constant 0 : i32
      %dma_wait3A_473 = arith.constant 0 : i32
      %dma_wait3A_474 = tpu.memref_slice %arg6[%dma_wait3A_471, %dma_wait3A_472, %dma_wait3A_473] : memref<7x128x128xf32, #tpu.memory_space<vmem>> -> memref<1x128x128xf32, #tpu.memory_space<vmem>>
      %dma_wait3A_475 = tpu.memref_squeeze %dma_wait3A_474 : memref<1x128x128xf32, #tpu.memory_space<vmem>> -> memref<128x128xf32, #tpu.memory_space<vmem>>
      %dma_wait3A_476 = arith.constant 0 : i32
      %dma_wait3A_477 = arith.constant 0 : i32
      %dma_wait3A_478 = tpu.memref_slice %arg4[%dma_wait3A_476, %dma_wait3A_477] : memref<262144x128xf32, #tpu.memory_space<hbm>> -> memref<128x128xf32, #tpu.memory_space<hbm>>
      %dma_wait3A_479 = arith.constant 0 : i32
      %dma_wait3A_480 = arith.constant 0 : i32
      %dma_wait3A_481 = tpu.memref_slice %arg4[%dma_wait3A_479, %dma_wait3A_480] : memref<262144x128xf32, #tpu.memory_space<hbm>> -> memref<128x128xf32, #tpu.memory_space<hbm>>
      %dma_wait3A_482 = arith.constant 0 : i32
      %dma_wait3A_483 = arith.constant 0 : i32
      %dma_wait3A_484 = tpu.memref_slice %arg6[%dma_wait3A_471, %dma_wait3A_482, %dma_wait3A_483] : memref<7x128x128xf32, #tpu.memory_space<vmem>> -> memref<1x128x128xf32, #tpu.memory_space<vmem>>
      %dma_wait3A_485 = tpu.memref_squeeze %dma_wait3A_484 : memref<1x128x128xf32, #tpu.memory_space<vmem>> -> memref<128x128xf32, #tpu.memory_space<vmem>>
      tpu.wait_dma2 semaphore(%arg15 : memref<!tpu.dma_semaphore, #tpu.memory_space<semaphore_mem>>) src(%dma_wait3A_485 : memref<128x128xf32, #tpu.memory_space<vmem>>) dst(%dma_wait3A_481 : memref<128x128xf32, #tpu.memory_space<hbm>>)
      %dma_start3A_486 = arith.constant 1 : i32
      %dma_start3A_487 = arith.constant 0 : i32
      %dma_start3A_488 = arith.constant 0 : i32
      %dma_start3A_489 = tpu.memref_slice %arg6[%dma_start3A_486, %dma_start3A_487, %dma_start3A_488] : memref<7x128x128xf32, #tpu.memory_space<vmem>> -> memref<1x128x128xf32, #tpu.memory_space<vmem>>
      %dma_start3A_490 = tpu.memref_squeeze %dma_start3A_489 : memref<1x128x128xf32, #tpu.memory_space<vmem>> -> memref<128x128xf32, #tpu.memory_space<vmem>>
      %dma_start3A_491 = arith.constant 0 : i32
      %dma_start3A_492 = tpu.memref_slice %arg5[%add3A_470, %dma_start3A_491] : memref<64x128xi32, #tpu.memory_space<vmem>> -> memref<1x128xi32, #tpu.memory_space<vmem>>
      %dma_start3A_493 = tpu.memref_squeeze %dma_start3A_492 : memref<1x128xi32, #tpu.memory_space<vmem>> -> memref<128xi32, #tpu.memory_space<vmem>>
      %dma_start3A_494 = arith.constant 0 : i32
      %dma_start3A_495 = arith.constant 0 : i32
      %dma_start3A_496 = tpu.memref_slice %arg2[%dma_start3A_494, %dma_start3A_495] : memref<16384x128xf32, #tpu.memory_space<hbm>> -> memref<16384x128xf32, #tpu.memory_space<hbm>>
      tpu.enqueue_indirect_dma source(%dma_start3A_496 : memref<16384x128xf32, #tpu.memory_space<hbm>>) target(%dma_start3A_490 : memref<128x128xf32, #tpu.memory_space<vmem>>) offsets(%dma_start3A_493 : memref<128xi32, #tpu.memory_space<vmem>>) semaphore(%arg8 : memref<!tpu.dma_semaphore, #tpu.memory_space<semaphore_mem>>)
      %dma_wait3A_497 = arith.constant 5 : i32
      %dma_wait3A_498 = arith.constant 0 : i32
      %dma_wait3A_499 = arith.constant 0 : i32
      %dma_wait3A_500 = tpu.memref_slice %arg6[%dma_wait3A_497, %dma_wait3A_498, %dma_wait3A_499] : memref<7x128x128xf32, #tpu.memory_space<vmem>> -> memref<1x128x128xf32, #tpu.memory_space<vmem>>
      %dma_wait3A_501 = tpu.memref_squeeze %dma_wait3A_500 : memref<1x128x128xf32, #tpu.memory_space<vmem>> -> memref<128x128xf32, #tpu.memory_space<vmem>>
      %dma_wait3A_502 = arith.constant 0 : i32
      %dma_wait3A_503 = arith.constant 0 : i32
      %dma_wait3A_504 = tpu.memref_slice %arg2[%dma_wait3A_502, %dma_wait3A_503] : memref<16384x128xf32, #tpu.memory_space<hbm>> -> memref<128x128xf32, #tpu.memory_space<hbm>>
      %dma_wait3A_505 = arith.constant 0 : i32
      %dma_wait3A_506 = arith.constant 0 : i32
      %dma_wait3A_507 = tpu.memref_slice %arg6[%dma_wait3A_497, %dma_wait3A_505, %dma_wait3A_506] : memref<7x128x128xf32, #tpu.memory_space<vmem>> -> memref<1x128x128xf32, #tpu.memory_space<vmem>>
      %dma_wait3A_508 = tpu.memref_squeeze %dma_wait3A_507 : memref<1x128x128xf32, #tpu.memory_space<vmem>> -> memref<128x128xf32, #tpu.memory_space<vmem>>
      %dma_wait3A_509 = arith.constant 0 : i32
      %dma_wait3A_510 = arith.constant 0 : i32
      %dma_wait3A_511 = tpu.memref_slice %arg2[%dma_wait3A_509, %dma_wait3A_510] : memref<16384x128xf32, #tpu.memory_space<hbm>> -> memref<128x128xf32, #tpu.memory_space<hbm>>
      tpu.wait_dma2 semaphore(%arg12 : memref<!tpu.dma_semaphore, #tpu.memory_space<semaphore_mem>>) src(%dma_wait3A_511 : memref<128x128xf32, #tpu.memory_space<hbm>>) dst(%dma_wait3A_508 : memref<128x128xf32, #tpu.memory_space<vmem>>)
      %sub3A = arith.constant 3 : i32
      %sub3A_512 = arith.subi %add3A_470, %sub3A : i32
      %mul3A_513 = arith.constant 128 : i32
      %mul3A_514 = arith.muli %sub3A_512, %mul3A_513 : i32
      %add3A_515 = arith.addi %mul3A_4, %mul3A_514 : i32
      %dma_start3A_516 = arith.constant 5 : i32
      %dma_start3A_517 = arith.constant 0 : i32
      %dma_start3A_518 = arith.constant 0 : i32
      %dma_start3A_519 = tpu.memref_slice %arg6[%dma_start3A_516, %dma_start3A_517, %dma_start3A_518] : memref<7x128x128xf32, #tpu.memory_space<vmem>> -> memref<1x128x128xf32, #tpu.memory_space<vmem>>
      %dma_start3A_520 = tpu.memref_squeeze %dma_start3A_519 : memref<1x128x128xf32, #tpu.memory_space<vmem>> -> memref<128x128xf32, #tpu.memory_space<vmem>>
      %dma_start3A_521 = arith.constant 0 : i32
      %dma_start3A_522 = tpu.memref_slice %arg4[%add3A_515, %dma_start3A_521] : memref<262144x128xf32, #tpu.memory_space<hbm>> -> memref<128x128xf32, #tpu.memory_space<hbm>>
      %dma_start3A_523 = arith.constant 0 : i32
      %dma_start3A_524 = tpu.memref_slice %arg4[%add3A_515, %dma_start3A_523] : memref<262144x128xf32, #tpu.memory_space<hbm>> -> memref<128x128xf32, #tpu.memory_space<hbm>>
      %dma_start3A_525 = arith.constant 0 : i32
      %dma_start3A_526 = arith.constant 0 : i32
      %dma_start3A_527 = tpu.memref_slice %arg6[%dma_start3A_516, %dma_start3A_525, %dma_start3A_526] : memref<7x128x128xf32, #tpu.memory_space<vmem>> -> memref<1x128x128xf32, #tpu.memory_space<vmem>>
      %dma_start3A_528 = tpu.memref_squeeze %dma_start3A_527 : memref<1x128x128xf32, #tpu.memory_space<vmem>> -> memref<128x128xf32, #tpu.memory_space<vmem>>
      tpu.enqueue_dma source(%dma_start3A_528 : memref<128x128xf32, #tpu.memory_space<vmem>>) target(%dma_start3A_524 : memref<128x128xf32, #tpu.memory_space<hbm>>) target_semaphore(%arg19 : memref<!tpu.dma_semaphore, #tpu.memory_space<semaphore_mem>>)
      %add3A_529 = arith.constant 1 : i32
      %add3A_530 = arith.addi %add3A_468, %add3A_529 : i32
      %dma_wait3A_531 = arith.constant 2 : i32
      %dma_wait3A_532 = arith.constant 0 : i32
      %dma_wait3A_533 = arith.constant 0 : i32
      %dma_wait3A_534 = tpu.memref_slice %arg6[%dma_wait3A_531, %dma_wait3A_532, %dma_wait3A_533] : memref<7x128x128xf32, #tpu.memory_space<vmem>> -> memref<1x128x128xf32, #tpu.memory_space<vmem>>
      %dma_wait3A_535 = tpu.memref_squeeze %dma_wait3A_534 : memref<1x128x128xf32, #tpu.memory_space<vmem>> -> memref<128x128xf32, #tpu.memory_space<vmem>>
      %dma_wait3A_536 = arith.constant 0 : i32
      %dma_wait3A_537 = arith.constant 0 : i32
      %dma_wait3A_538 = tpu.memref_slice %arg4[%dma_wait3A_536, %dma_wait3A_537] : memref<262144x128xf32, #tpu.memory_space<hbm>> -> memref<128x128xf32, #tpu.memory_space<hbm>>
      %dma_wait3A_539 = arith.constant 0 : i32
      %dma_wait3A_540 = arith.constant 0 : i32
      %dma_wait3A_541 = tpu.memref_slice %arg4[%dma_wait3A_539, %dma_wait3A_540] : memref<262144x128xf32, #tpu.memory_space<hbm>> -> memref<128x128xf32, #tpu.memory_space<hbm>>
      %dma_wait3A_542 = arith.constant 0 : i32
      %dma_wait3A_543 = arith.constant 0 : i32
      %dma_wait3A_544 = tpu.memref_slice %arg6[%dma_wait3A_531, %dma_wait3A_542, %dma_wait3A_543] : memref<7x128x128xf32, #tpu.memory_space<vmem>> -> memref<1x128x128xf32, #tpu.memory_space<vmem>>
      %dma_wait3A_545 = tpu.memref_squeeze %dma_wait3A_544 : memref<1x128x128xf32, #tpu.memory_space<vmem>> -> memref<128x128xf32, #tpu.memory_space<vmem>>
      tpu.wait_dma2 semaphore(%arg16 : memref<!tpu.dma_semaphore, #tpu.memory_space<semaphore_mem>>) src(%dma_wait3A_545 : memref<128x128xf32, #tpu.memory_space<vmem>>) dst(%dma_wait3A_541 : memref<128x128xf32, #tpu.memory_space<hbm>>)
      %dma_start3A_546 = arith.constant 2 : i32
      %dma_start3A_547 = arith.constant 0 : i32
      %dma_start3A_548 = arith.constant 0 : i32
      %dma_start3A_549 = tpu.memref_slice %arg6[%dma_start3A_546, %dma_start3A_547, %dma_start3A_548] : memref<7x128x128xf32, #tpu.memory_space<vmem>> -> memref<1x128x128xf32, #tpu.memory_space<vmem>>
      %dma_start3A_550 = tpu.memref_squeeze %dma_start3A_549 : memref<1x128x128xf32, #tpu.memory_space<vmem>> -> memref<128x128xf32, #tpu.memory_space<vmem>>
      %dma_start3A_551 = arith.constant 0 : i32
      %dma_start3A_552 = tpu.memref_slice %arg5[%add3A_530, %dma_start3A_551] : memref<64x128xi32, #tpu.memory_space<vmem>> -> memref<1x128xi32, #tpu.memory_space<vmem>>
      %dma_start3A_553 = tpu.memref_squeeze %dma_start3A_552 : memref<1x128xi32, #tpu.memory_space<vmem>> -> memref<128xi32, #tpu.memory_space<vmem>>
      %dma_start3A_554 = arith.constant 0 : i32
      %dma_start3A_555 = arith.constant 0 : i32
      %dma_start3A_556 = tpu.memref_slice %arg2[%dma_start3A_554, %dma_start3A_555] : memref<16384x128xf32, #tpu.memory_space<hbm>> -> memref<16384x128xf32, #tpu.memory_space<hbm>>
      tpu.enqueue_indirect_dma source(%dma_start3A_556 : memref<16384x128xf32, #tpu.memory_space<hbm>>) target(%dma_start3A_550 : memref<128x128xf32, #tpu.memory_space<vmem>>) offsets(%dma_start3A_553 : memref<128xi32, #tpu.memory_space<vmem>>) semaphore(%arg9 : memref<!tpu.dma_semaphore, #tpu.memory_space<semaphore_mem>>)
      %dma_wait3A_557 = arith.constant 6 : i32
      %dma_wait3A_558 = arith.constant 0 : i32
      %dma_wait3A_559 = arith.constant 0 : i32
      %dma_wait3A_560 = tpu.memref_slice %arg6[%dma_wait3A_557, %dma_wait3A_558, %dma_wait3A_559] : memref<7x128x128xf32, #tpu.memory_space<vmem>> -> memref<1x128x128xf32, #tpu.memory_space<vmem>>
      %dma_wait3A_561 = tpu.memref_squeeze %dma_wait3A_560 : memref<1x128x128xf32, #tpu.memory_space<vmem>> -> memref<128x128xf32, #tpu.memory_space<vmem>>
      %dma_wait3A_562 = arith.constant 0 : i32
      %dma_wait3A_563 = arith.constant 0 : i32
      %dma_wait3A_564 = tpu.memref_slice %arg2[%dma_wait3A_562, %dma_wait3A_563] : memref<16384x128xf32, #tpu.memory_space<hbm>> -> memref<128x128xf32, #tpu.memory_space<hbm>>
      %dma_wait3A_565 = arith.constant 0 : i32
      %dma_wait3A_566 = arith.constant 0 : i32
      %dma_wait3A_567 = tpu.memref_slice %arg6[%dma_wait3A_557, %dma_wait3A_565, %dma_wait3A_566] : memref<7x128x128xf32, #tpu.memory_space<vmem>> -> memref<1x128x128xf32, #tpu.memory_space<vmem>>
      %dma_wait3A_568 = tpu.memref_squeeze %dma_wait3A_567 : memref<1x128x128xf32, #tpu.memory_space<vmem>> -> memref<128x128xf32, #tpu.memory_space<vmem>>
      %dma_wait3A_569 = arith.constant 0 : i32
      %dma_wait3A_570 = arith.constant 0 : i32
      %dma_wait3A_571 = tpu.memref_slice %arg2[%dma_wait3A_569, %dma_wait3A_570] : memref<16384x128xf32, #tpu.memory_space<hbm>> -> memref<128x128xf32, #tpu.memory_space<hbm>>
      tpu.wait_dma2 semaphore(%arg13 : memref<!tpu.dma_semaphore, #tpu.memory_space<semaphore_mem>>) src(%dma_wait3A_571 : memref<128x128xf32, #tpu.memory_space<hbm>>) dst(%dma_wait3A_568 : memref<128x128xf32, #tpu.memory_space<vmem>>)
      %sub3A_572 = arith.constant 3 : i32
      %sub3A_573 = arith.subi %add3A_530, %sub3A_572 : i32
      %mul3A_574 = arith.constant 128 : i32
      %mul3A_575 = arith.muli %sub3A_573, %mul3A_574 : i32
      %add3A_576 = arith.addi %mul3A_4, %mul3A_575 : i32
      %dma_start3A_577 = arith.constant 6 : i32
      %dma_start3A_578 = arith.constant 0 : i32
      %dma_start3A_579 = arith.constant 0 : i32
      %dma_start3A_580 = tpu.memref_slice %arg6[%dma_start3A_577, %dma_start3A_578, %dma_start3A_579] : memref<7x128x128xf32, #tpu.memory_space<vmem>> -> memref<1x128x128xf32, #tpu.memory_space<vmem>>
      %dma_start3A_581 = tpu.memref_squeeze %dma_start3A_580 : memref<1x128x128xf32, #tpu.memory_space<vmem>> -> memref<128x128xf32, #tpu.memory_space<vmem>>
      %dma_start3A_582 = arith.constant 0 : i32
      %dma_start3A_583 = tpu.memref_slice %arg4[%add3A_576, %dma_start3A_582] : memref<262144x128xf32, #tpu.memory_space<hbm>> -> memref<128x128xf32, #tpu.memory_space<hbm>>
      %dma_start3A_584 = arith.constant 0 : i32
      %dma_start3A_585 = tpu.memref_slice %arg4[%add3A_576, %dma_start3A_584] : memref<262144x128xf32, #tpu.memory_space<hbm>> -> memref<128x128xf32, #tpu.memory_space<hbm>>
      %dma_start3A_586 = arith.constant 0 : i32
      %dma_start3A_587 = arith.constant 0 : i32
      %dma_start3A_588 = tpu.memref_slice %arg6[%dma_start3A_577, %dma_start3A_586, %dma_start3A_587] : memref<7x128x128xf32, #tpu.memory_space<vmem>> -> memref<1x128x128xf32, #tpu.memory_space<vmem>>
      %dma_start3A_589 = tpu.memref_squeeze %dma_start3A_588 : memref<1x128x128xf32, #tpu.memory_space<vmem>> -> memref<128x128xf32, #tpu.memory_space<vmem>>
      tpu.enqueue_dma source(%dma_start3A_589 : memref<128x128xf32, #tpu.memory_space<vmem>>) target(%dma_start3A_585 : memref<128x128xf32, #tpu.memory_space<hbm>>) target_semaphore(%arg20 : memref<!tpu.dma_semaphore, #tpu.memory_space<semaphore_mem>>)
      %add3A_590 = arith.constant 2 : i32
      %add3A_591 = arith.addi %add3A_468, %add3A_590 : i32
      %dma_wait3A_592 = arith.constant 3 : i32
      %dma_wait3A_593 = arith.constant 0 : i32
      %dma_wait3A_594 = arith.constant 0 : i32
      %dma_wait3A_595 = tpu.memref_slice %arg6[%dma_wait3A_592, %dma_wait3A_593, %dma_wait3A_594] : memref<7x128x128xf32, #tpu.memory_space<vmem>> -> memref<1x128x128xf32, #tpu.memory_space<vmem>>
      %dma_wait3A_596 = tpu.memref_squeeze %dma_wait3A_595 : memref<1x128x128xf32, #tpu.memory_space<vmem>> -> memref<128x128xf32, #tpu.memory_space<vmem>>
      %dma_wait3A_597 = arith.constant 0 : i32
      %dma_wait3A_598 = arith.constant 0 : i32
      %dma_wait3A_599 = tpu.memref_slice %arg4[%dma_wait3A_597, %dma_wait3A_598] : memref<262144x128xf32, #tpu.memory_space<hbm>> -> memref<128x128xf32, #tpu.memory_space<hbm>>
      %dma_wait3A_600 = arith.constant 0 : i32
      %dma_wait3A_601 = arith.constant 0 : i32
      %dma_wait3A_602 = tpu.memref_slice %arg4[%dma_wait3A_600, %dma_wait3A_601] : memref<262144x128xf32, #tpu.memory_space<hbm>> -> memref<128x128xf32, #tpu.memory_space<hbm>>
      %dma_wait3A_603 = arith.constant 0 : i32
      %dma_wait3A_604 = arith.constant 0 : i32
      %dma_wait3A_605 = tpu.memref_slice %arg6[%dma_wait3A_592, %dma_wait3A_603, %dma_wait3A_604] : memref<7x128x128xf32, #tpu.memory_space<vmem>> -> memref<1x128x128xf32, #tpu.memory_space<vmem>>
      %dma_wait3A_606 = tpu.memref_squeeze %dma_wait3A_605 : memref<1x128x128xf32, #tpu.memory_space<vmem>> -> memref<128x128xf32, #tpu.memory_space<vmem>>
      tpu.wait_dma2 semaphore(%arg17 : memref<!tpu.dma_semaphore, #tpu.memory_space<semaphore_mem>>) src(%dma_wait3A_606 : memref<128x128xf32, #tpu.memory_space<vmem>>) dst(%dma_wait3A_602 : memref<128x128xf32, #tpu.memory_space<hbm>>)
      %dma_start3A_607 = arith.constant 3 : i32
      %dma_start3A_608 = arith.constant 0 : i32
      %dma_start3A_609 = arith.constant 0 : i32
      %dma_start3A_610 = tpu.memref_slice %arg6[%dma_start3A_607, %dma_start3A_608, %dma_start3A_609] : memref<7x128x128xf32, #tpu.memory_space<vmem>> -> memref<1x128x128xf32, #tpu.memory_space<vmem>>
      %dma_start3A_611 = tpu.memref_squeeze %dma_start3A_610 : memref<1x128x128xf32, #tpu.memory_space<vmem>> -> memref<128x128xf32, #tpu.memory_space<vmem>>
      %dma_start3A_612 = arith.constant 0 : i32
      %dma_start3A_613 = tpu.memref_slice %arg5[%add3A_591, %dma_start3A_612] : memref<64x128xi32, #tpu.memory_space<vmem>> -> memref<1x128xi32, #tpu.memory_space<vmem>>
      %dma_start3A_614 = tpu.memref_squeeze %dma_start3A_613 : memref<1x128xi32, #tpu.memory_space<vmem>> -> memref<128xi32, #tpu.memory_space<vmem>>
      %dma_start3A_615 = arith.constant 0 : i32
      %dma_start3A_616 = arith.constant 0 : i32
      %dma_start3A_617 = tpu.memref_slice %arg2[%dma_start3A_615, %dma_start3A_616] : memref<16384x128xf32, #tpu.memory_space<hbm>> -> memref<16384x128xf32, #tpu.memory_space<hbm>>
      tpu.enqueue_indirect_dma source(%dma_start3A_617 : memref<16384x128xf32, #tpu.memory_space<hbm>>) target(%dma_start3A_611 : memref<128x128xf32, #tpu.memory_space<vmem>>) offsets(%dma_start3A_614 : memref<128xi32, #tpu.memory_space<vmem>>) semaphore(%arg10 : memref<!tpu.dma_semaphore, #tpu.memory_space<semaphore_mem>>)
      %dma_wait3A_618 = arith.constant 0 : i32
      %dma_wait3A_619 = arith.constant 0 : i32
      %dma_wait3A_620 = arith.constant 0 : i32
      %dma_wait3A_621 = tpu.memref_slice %arg6[%dma_wait3A_618, %dma_wait3A_619, %dma_wait3A_620] : memref<7x128x128xf32, #tpu.memory_space<vmem>> -> memref<1x128x128xf32, #tpu.memory_space<vmem>>
      %dma_wait3A_622 = tpu.memref_squeeze %dma_wait3A_621 : memref<1x128x128xf32, #tpu.memory_space<vmem>> -> memref<128x128xf32, #tpu.memory_space<vmem>>
      %dma_wait3A_623 = arith.constant 0 : i32
      %dma_wait3A_624 = arith.constant 0 : i32
      %dma_wait3A_625 = tpu.memref_slice %arg2[%dma_wait3A_623, %dma_wait3A_624] : memref<16384x128xf32, #tpu.memory_space<hbm>> -> memref<128x128xf32, #tpu.memory_space<hbm>>
      %dma_wait3A_626 = arith.constant 0 : i32
      %dma_wait3A_627 = arith.constant 0 : i32
      %dma_wait3A_628 = tpu.memref_slice %arg6[%dma_wait3A_618, %dma_wait3A_626, %dma_wait3A_627] : memref<7x128x128xf32, #tpu.memory_space<vmem>> -> memref<1x128x128xf32, #tpu.memory_space<vmem>>
      %dma_wait3A_629 = tpu.memref_squeeze %dma_wait3A_628 : memref<1x128x128xf32, #tpu.memory_space<vmem>> -> memref<128x128xf32, #tpu.memory_space<vmem>>
      %dma_wait3A_630 = arith.constant 0 : i32
      %dma_wait3A_631 = arith.constant 0 : i32
      %dma_wait3A_632 = tpu.memref_slice %arg2[%dma_wait3A_630, %dma_wait3A_631] : memref<16384x128xf32, #tpu.memory_space<hbm>> -> memref<128x128xf32, #tpu.memory_space<hbm>>
      tpu.wait_dma2 semaphore(%arg7 : memref<!tpu.dma_semaphore, #tpu.memory_space<semaphore_mem>>) src(%dma_wait3A_632 : memref<128x128xf32, #tpu.memory_space<hbm>>) dst(%dma_wait3A_629 : memref<128x128xf32, #tpu.memory_space<vmem>>)
      %sub3A_633 = arith.constant 3 : i32
      %sub3A_634 = arith.subi %add3A_591, %sub3A_633 : i32
      %mul3A_635 = arith.constant 128 : i32
      %mul3A_636 = arith.muli %sub3A_634, %mul3A_635 : i32
      %add3A_637 = arith.addi %mul3A_4, %mul3A_636 : i32
      %dma_start3A_638 = arith.constant 0 : i32
      %dma_start3A_639 = arith.constant 0 : i32
      %dma_start3A_640 = arith.constant 0 : i32
      %dma_start3A_641 = tpu.memref_slice %arg6[%dma_start3A_638, %dma_start3A_639, %dma_start3A_640] : memref<7x128x128xf32, #tpu.memory_space<vmem>> -> memref<1x128x128xf32, #tpu.memory_space<vmem>>
      %dma_start3A_642 = tpu.memref_squeeze %dma_start3A_641 : memref<1x128x128xf32, #tpu.memory_space<vmem>> -> memref<128x128xf32, #tpu.memory_space<vmem>>
      %dma_start3A_643 = arith.constant 0 : i32
      %dma_start3A_644 = tpu.memref_slice %arg4[%add3A_637, %dma_start3A_643] : memref<262144x128xf32, #tpu.memory_space<hbm>> -> memref<128x128xf32, #tpu.memory_space<hbm>>
      %dma_start3A_645 = arith.constant 0 : i32
      %dma_start3A_646 = tpu.memref_slice %arg4[%add3A_637, %dma_start3A_645] : memref<262144x128xf32, #tpu.memory_space<hbm>> -> memref<128x128xf32, #tpu.memory_space<hbm>>
      %dma_start3A_647 = arith.constant 0 : i32
      %dma_start3A_648 = arith.constant 0 : i32
      %dma_start3A_649 = tpu.memref_slice %arg6[%dma_start3A_638, %dma_start3A_647, %dma_start3A_648] : memref<7x128x128xf32, #tpu.memory_space<vmem>> -> memref<1x128x128xf32, #tpu.memory_space<vmem>>
      %dma_start3A_650 = tpu.memref_squeeze %dma_start3A_649 : memref<1x128x128xf32, #tpu.memory_space<vmem>> -> memref<128x128xf32, #tpu.memory_space<vmem>>
      tpu.enqueue_dma source(%dma_start3A_650 : memref<128x128xf32, #tpu.memory_space<vmem>>) target(%dma_start3A_646 : memref<128x128xf32, #tpu.memory_space<hbm>>) target_semaphore(%arg14 : memref<!tpu.dma_semaphore, #tpu.memory_space<semaphore_mem>>)
      %add3A_651 = arith.constant 3 : i32
      %add3A_652 = arith.addi %add3A_468, %add3A_651 : i32
      %dma_wait3A_653 = arith.constant 4 : i32
      %dma_wait3A_654 = arith.constant 0 : i32
      %dma_wait3A_655 = arith.constant 0 : i32
      %dma_wait3A_656 = tpu.memref_slice %arg6[%dma_wait3A_653, %dma_wait3A_654, %dma_wait3A_655] : memref<7x128x128xf32, #tpu.memory_space<vmem>> -> memref<1x128x128xf32, #tpu.memory_space<vmem>>
      %dma_wait3A_657 = tpu.memref_squeeze %dma_wait3A_656 : memref<1x128x128xf32, #tpu.memory_space<vmem>> -> memref<128x128xf32, #tpu.memory_space<vmem>>
      %dma_wait3A_658 = arith.constant 0 : i32
      %dma_wait3A_659 = arith.constant 0 : i32
      %dma_wait3A_660 = tpu.memref_slice %arg4[%dma_wait3A_658, %dma_wait3A_659] : memref<262144x128xf32, #tpu.memory_space<hbm>> -> memref<128x128xf32, #tpu.memory_space<hbm>>
      %dma_wait3A_661 = arith.constant 0 : i32
      %dma_wait3A_662 = arith.constant 0 : i32
      %dma_wait3A_663 = tpu.memref_slice %arg4[%dma_wait3A_661, %dma_wait3A_662] : memref<262144x128xf32, #tpu.memory_space<hbm>> -> memref<128x128xf32, #tpu.memory_space<hbm>>
      %dma_wait3A_664 = arith.constant 0 : i32
      %dma_wait3A_665 = arith.constant 0 : i32
      %dma_wait3A_666 = tpu.memref_slice %arg6[%dma_wait3A_653, %dma_wait3A_664, %dma_wait3A_665] : memref<7x128x128xf32, #tpu.memory_space<vmem>> -> memref<1x128x128xf32, #tpu.memory_space<vmem>>
      %dma_wait3A_667 = tpu.memref_squeeze %dma_wait3A_666 : memref<1x128x128xf32, #tpu.memory_space<vmem>> -> memref<128x128xf32, #tpu.memory_space<vmem>>
      tpu.wait_dma2 semaphore(%arg18 : memref<!tpu.dma_semaphore, #tpu.memory_space<semaphore_mem>>) src(%dma_wait3A_667 : memref<128x128xf32, #tpu.memory_space<vmem>>) dst(%dma_wait3A_663 : memref<128x128xf32, #tpu.memory_space<hbm>>)
      %dma_start3A_668 = arith.constant 4 : i32
      %dma_start3A_669 = arith.constant 0 : i32
      %dma_start3A_670 = arith.constant 0 : i32
      %dma_start3A_671 = tpu.memref_slice %arg6[%dma_start3A_668, %dma_start3A_669, %dma_start3A_670] : memref<7x128x128xf32, #tpu.memory_space<vmem>> -> memref<1x128x128xf32, #tpu.memory_space<vmem>>
      %dma_start3A_672 = tpu.memref_squeeze %dma_start3A_671 : memref<1x128x128xf32, #tpu.memory_space<vmem>> -> memref<128x128xf32, #tpu.memory_space<vmem>>
      %dma_start3A_673 = arith.constant 0 : i32
      %dma_start3A_674 = tpu.memref_slice %arg5[%add3A_652, %dma_start3A_673] : memref<64x128xi32, #tpu.memory_space<vmem>> -> memref<1x128xi32, #tpu.memory_space<vmem>>
      %dma_start3A_675 = tpu.memref_squeeze %dma_start3A_674 : memref<1x128xi32, #tpu.memory_space<vmem>> -> memref<128xi32, #tpu.memory_space<vmem>>
      %dma_start3A_676 = arith.constant 0 : i32
      %dma_start3A_677 = arith.constant 0 : i32
      %dma_start3A_678 = tpu.memref_slice %arg2[%dma_start3A_676, %dma_start3A_677] : memref<16384x128xf32, #tpu.memory_space<hbm>> -> memref<16384x128xf32, #tpu.memory_space<hbm>>
      tpu.enqueue_indirect_dma source(%dma_start3A_678 : memref<16384x128xf32, #tpu.memory_space<hbm>>) target(%dma_start3A_672 : memref<128x128xf32, #tpu.memory_space<vmem>>) offsets(%dma_start3A_675 : memref<128xi32, #tpu.memory_space<vmem>>) semaphore(%arg11 : memref<!tpu.dma_semaphore, #tpu.memory_space<semaphore_mem>>)
      %dma_wait3A_679 = arith.constant 1 : i32
      %dma_wait3A_680 = arith.constant 0 : i32
      %dma_wait3A_681 = arith.constant 0 : i32
      %dma_wait3A_682 = tpu.memref_slice %arg6[%dma_wait3A_679, %dma_wait3A_680, %dma_wait3A_681] : memref<7x128x128xf32, #tpu.memory_space<vmem>> -> memref<1x128x128xf32, #tpu.memory_space<vmem>>
      %dma_wait3A_683 = tpu.memref_squeeze %dma_wait3A_682 : memref<1x128x128xf32, #tpu.memory_space<vmem>> -> memref<128x128xf32, #tpu.memory_space<vmem>>
      %dma_wait3A_684 = arith.constant 0 : i32
      %dma_wait3A_685 = arith.constant 0 : i32
      %dma_wait3A_686 = tpu.memref_slice %arg2[%dma_wait3A_684, %dma_wait3A_685] : memref<16384x128xf32, #tpu.memory_space<hbm>> -> memref<128x128xf32, #tpu.memory_space<hbm>>
      %dma_wait3A_687 = arith.constant 0 : i32
      %dma_wait3A_688 = arith.constant 0 : i32
      %dma_wait3A_689 = tpu.memref_slice %arg6[%dma_wait3A_679, %dma_wait3A_687, %dma_wait3A_688] : memref<7x128x128xf32, #tpu.memory_space<vmem>> -> memref<1x128x128xf32, #tpu.memory_space<vmem>>
      %dma_wait3A_690 = tpu.memref_squeeze %dma_wait3A_689 : memref<1x128x128xf32, #tpu.memory_space<vmem>> -> memref<128x128xf32, #tpu.memory_space<vmem>>
      %dma_wait3A_691 = arith.constant 0 : i32
      %dma_wait3A_692 = arith.constant 0 : i32
      %dma_wait3A_693 = tpu.memref_slice %arg2[%dma_wait3A_691, %dma_wait3A_692] : memref<16384x128xf32, #tpu.memory_space<hbm>> -> memref<128x128xf32, #tpu.memory_space<hbm>>
      tpu.wait_dma2 semaphore(%arg8 : memref<!tpu.dma_semaphore, #tpu.memory_space<semaphore_mem>>) src(%dma_wait3A_693 : memref<128x128xf32, #tpu.memory_space<hbm>>) dst(%dma_wait3A_690 : memref<128x128xf32, #tpu.memory_space<vmem>>)
      %sub3A_694 = arith.constant 3 : i32
      %sub3A_695 = arith.subi %add3A_652, %sub3A_694 : i32
      %mul3A_696 = arith.constant 128 : i32
      %mul3A_697 = arith.muli %sub3A_695, %mul3A_696 : i32
      %add3A_698 = arith.addi %mul3A_4, %mul3A_697 : i32
      %dma_start3A_699 = arith.constant 1 : i32
      %dma_start3A_700 = arith.constant 0 : i32
      %dma_start3A_701 = arith.constant 0 : i32
      %dma_start3A_702 = tpu.memref_slice %arg6[%dma_start3A_699, %dma_start3A_700, %dma_start3A_701] : memref<7x128x128xf32, #tpu.memory_space<vmem>> -> memref<1x128x128xf32, #tpu.memory_space<vmem>>
      %dma_start3A_703 = tpu.memref_squeeze %dma_start3A_702 : memref<1x128x128xf32, #tpu.memory_space<vmem>> -> memref<128x128xf32, #tpu.memory_space<vmem>>
      %dma_start3A_704 = arith.constant 0 : i32
      %dma_start3A_705 = tpu.memref_slice %arg4[%add3A_698, %dma_start3A_704] : memref<262144x128xf32, #tpu.memory_space<hbm>> -> memref<128x128xf32, #tpu.memory_space<hbm>>
      %dma_start3A_706 = arith.constant 0 : i32
      %dma_start3A_707 = tpu.memref_slice %arg4[%add3A_698, %dma_start3A_706] : memref<262144x128xf32, #tpu.memory_space<hbm>> -> memref<128x128xf32, #tpu.memory_space<hbm>>
      %dma_start3A_708 = arith.constant 0 : i32
      %dma_start3A_709 = arith.constant 0 : i32
      %dma_start3A_710 = tpu.memref_slice %arg6[%dma_start3A_699, %dma_start3A_708, %dma_start3A_709] : memref<7x128x128xf32, #tpu.memory_space<vmem>> -> memref<1x128x128xf32, #tpu.memory_space<vmem>>
      %dma_start3A_711 = tpu.memref_squeeze %dma_start3A_710 : memref<1x128x128xf32, #tpu.memory_space<vmem>> -> memref<128x128xf32, #tpu.memory_space<vmem>>
      tpu.enqueue_dma source(%dma_start3A_711 : memref<128x128xf32, #tpu.memory_space<vmem>>) target(%dma_start3A_707 : memref<128x128xf32, #tpu.memory_space<hbm>>) target_semaphore(%arg15 : memref<!tpu.dma_semaphore, #tpu.memory_space<semaphore_mem>>)
      %add3A_712 = arith.constant 4 : i32
      %add3A_713 = arith.addi %add3A_468, %add3A_712 : i32
      %dma_wait3A_714 = arith.constant 5 : i32
      %dma_wait3A_715 = arith.constant 0 : i32
      %dma_wait3A_716 = arith.constant 0 : i32
      %dma_wait3A_717 = tpu.memref_slice %arg6[%dma_wait3A_714, %dma_wait3A_715, %dma_wait3A_716] : memref<7x128x128xf32, #tpu.memory_space<vmem>> -> memref<1x128x128xf32, #tpu.memory_space<vmem>>
      %dma_wait3A_718 = tpu.memref_squeeze %dma_wait3A_717 : memref<1x128x128xf32, #tpu.memory_space<vmem>> -> memref<128x128xf32, #tpu.memory_space<vmem>>
      %dma_wait3A_719 = arith.constant 0 : i32
      %dma_wait3A_720 = arith.constant 0 : i32
      %dma_wait3A_721 = tpu.memref_slice %arg4[%dma_wait3A_719, %dma_wait3A_720] : memref<262144x128xf32, #tpu.memory_space<hbm>> -> memref<128x128xf32, #tpu.memory_space<hbm>>
      %dma_wait3A_722 = arith.constant 0 : i32
      %dma_wait3A_723 = arith.constant 0 : i32
      %dma_wait3A_724 = tpu.memref_slice %arg4[%dma_wait3A_722, %dma_wait3A_723] : memref<262144x128xf32, #tpu.memory_space<hbm>> -> memref<128x128xf32, #tpu.memory_space<hbm>>
      %dma_wait3A_725 = arith.constant 0 : i32
      %dma_wait3A_726 = arith.constant 0 : i32
      %dma_wait3A_727 = tpu.memref_slice %arg6[%dma_wait3A_714, %dma_wait3A_725, %dma_wait3A_726] : memref<7x128x128xf32, #tpu.memory_space<vmem>> -> memref<1x128x128xf32, #tpu.memory_space<vmem>>
      %dma_wait3A_728 = tpu.memref_squeeze %dma_wait3A_727 : memref<1x128x128xf32, #tpu.memory_space<vmem>> -> memref<128x128xf32, #tpu.memory_space<vmem>>
      tpu.wait_dma2 semaphore(%arg19 : memref<!tpu.dma_semaphore, #tpu.memory_space<semaphore_mem>>) src(%dma_wait3A_728 : memref<128x128xf32, #tpu.memory_space<vmem>>) dst(%dma_wait3A_724 : memref<128x128xf32, #tpu.memory_space<hbm>>)
      %dma_start3A_729 = arith.constant 5 : i32
      %dma_start3A_730 = arith.constant 0 : i32
      %dma_start3A_731 = arith.constant 0 : i32
      %dma_start3A_732 = tpu.memref_slice %arg6[%dma_start3A_729, %dma_start3A_730, %dma_start3A_731] : memref<7x128x128xf32, #tpu.memory_space<vmem>> -> memref<1x128x128xf32, #tpu.memory_space<vmem>>
      %dma_start3A_733 = tpu.memref_squeeze %dma_start3A_732 : memref<1x128x128xf32, #tpu.memory_space<vmem>> -> memref<128x128xf32, #tpu.memory_space<vmem>>
      %dma_start3A_734 = arith.constant 0 : i32
      %dma_start3A_735 = tpu.memref_slice %arg5[%add3A_713, %dma_start3A_734] : memref<64x128xi32, #tpu.memory_space<vmem>> -> memref<1x128xi32, #tpu.memory_space<vmem>>
      %dma_start3A_736 = tpu.memref_squeeze %dma_start3A_735 : memref<1x128xi32, #tpu.memory_space<vmem>> -> memref<128xi32, #tpu.memory_space<vmem>>
      %dma_start3A_737 = arith.constant 0 : i32
      %dma_start3A_738 = arith.constant 0 : i32
      %dma_start3A_739 = tpu.memref_slice %arg2[%dma_start3A_737, %dma_start3A_738] : memref<16384x128xf32, #tpu.memory_space<hbm>> -> memref<16384x128xf32, #tpu.memory_space<hbm>>
      tpu.enqueue_indirect_dma source(%dma_start3A_739 : memref<16384x128xf32, #tpu.memory_space<hbm>>) target(%dma_start3A_733 : memref<128x128xf32, #tpu.memory_space<vmem>>) offsets(%dma_start3A_736 : memref<128xi32, #tpu.memory_space<vmem>>) semaphore(%arg12 : memref<!tpu.dma_semaphore, #tpu.memory_space<semaphore_mem>>)
      %dma_wait3A_740 = arith.constant 2 : i32
      %dma_wait3A_741 = arith.constant 0 : i32
      %dma_wait3A_742 = arith.constant 0 : i32
      %dma_wait3A_743 = tpu.memref_slice %arg6[%dma_wait3A_740, %dma_wait3A_741, %dma_wait3A_742] : memref<7x128x128xf32, #tpu.memory_space<vmem>> -> memref<1x128x128xf32, #tpu.memory_space<vmem>>
      %dma_wait3A_744 = tpu.memref_squeeze %dma_wait3A_743 : memref<1x128x128xf32, #tpu.memory_space<vmem>> -> memref<128x128xf32, #tpu.memory_space<vmem>>
      %dma_wait3A_745 = arith.constant 0 : i32
      %dma_wait3A_746 = arith.constant 0 : i32
      %dma_wait3A_747 = tpu.memref_slice %arg2[%dma_wait3A_745, %dma_wait3A_746] : memref<16384x128xf32, #tpu.memory_space<hbm>> -> memref<128x128xf32, #tpu.memory_space<hbm>>
      %dma_wait3A_748 = arith.constant 0 : i32
      %dma_wait3A_749 = arith.constant 0 : i32
      %dma_wait3A_750 = tpu.memref_slice %arg6[%dma_wait3A_740, %dma_wait3A_748, %dma_wait3A_749] : memref<7x128x128xf32, #tpu.memory_space<vmem>> -> memref<1x128x128xf32, #tpu.memory_space<vmem>>
      %dma_wait3A_751 = tpu.memref_squeeze %dma_wait3A_750 : memref<1x128x128xf32, #tpu.memory_space<vmem>> -> memref<128x128xf32, #tpu.memory_space<vmem>>
      %dma_wait3A_752 = arith.constant 0 : i32
      %dma_wait3A_753 = arith.constant 0 : i32
      %dma_wait3A_754 = tpu.memref_slice %arg2[%dma_wait3A_752, %dma_wait3A_753] : memref<16384x128xf32, #tpu.memory_space<hbm>> -> memref<128x128xf32, #tpu.memory_space<hbm>>
      tpu.wait_dma2 semaphore(%arg9 : memref<!tpu.dma_semaphore, #tpu.memory_space<semaphore_mem>>) src(%dma_wait3A_754 : memref<128x128xf32, #tpu.memory_space<hbm>>) dst(%dma_wait3A_751 : memref<128x128xf32, #tpu.memory_space<vmem>>)
      %sub3A_755 = arith.constant 3 : i32
      %sub3A_756 = arith.subi %add3A_713, %sub3A_755 : i32
      %mul3A_757 = arith.constant 128 : i32
      %mul3A_758 = arith.muli %sub3A_756, %mul3A_757 : i32
      %add3A_759 = arith.addi %mul3A_4, %mul3A_758 : i32
      %dma_start3A_760 = arith.constant 2 : i32
      %dma_start3A_761 = arith.constant 0 : i32
      %dma_start3A_762 = arith.constant 0 : i32
      %dma_start3A_763 = tpu.memref_slice %arg6[%dma_start3A_760, %dma_start3A_761, %dma_start3A_762] : memref<7x128x128xf32, #tpu.memory_space<vmem>> -> memref<1x128x128xf32, #tpu.memory_space<vmem>>
      %dma_start3A_764 = tpu.memref_squeeze %dma_start3A_763 : memref<1x128x128xf32, #tpu.memory_space<vmem>> -> memref<128x128xf32, #tpu.memory_space<vmem>>
      %dma_start3A_765 = arith.constant 0 : i32
      %dma_start3A_766 = tpu.memref_slice %arg4[%add3A_759, %dma_start3A_765] : memref<262144x128xf32, #tpu.memory_space<hbm>> -> memref<128x128xf32, #tpu.memory_space<hbm>>
      %dma_start3A_767 = arith.constant 0 : i32
      %dma_start3A_768 = tpu.memref_slice %arg4[%add3A_759, %dma_start3A_767] : memref<262144x128xf32, #tpu.memory_space<hbm>> -> memref<128x128xf32, #tpu.memory_space<hbm>>
      %dma_start3A_769 = arith.constant 0 : i32
      %dma_start3A_770 = arith.constant 0 : i32
      %dma_start3A_771 = tpu.memref_slice %arg6[%dma_start3A_760, %dma_start3A_769, %dma_start3A_770] : memref<7x128x128xf32, #tpu.memory_space<vmem>> -> memref<1x128x128xf32, #tpu.memory_space<vmem>>
      %dma_start3A_772 = tpu.memref_squeeze %dma_start3A_771 : memref<1x128x128xf32, #tpu.memory_space<vmem>> -> memref<128x128xf32, #tpu.memory_space<vmem>>
      tpu.enqueue_dma source(%dma_start3A_772 : memref<128x128xf32, #tpu.memory_space<vmem>>) target(%dma_start3A_768 : memref<128x128xf32, #tpu.memory_space<hbm>>) target_semaphore(%arg16 : memref<!tpu.dma_semaphore, #tpu.memory_space<semaphore_mem>>)
      %add3A_773 = arith.constant 5 : i32
      %add3A_774 = arith.addi %add3A_468, %add3A_773 : i32
      %dma_wait3A_775 = arith.constant 6 : i32
      %dma_wait3A_776 = arith.constant 0 : i32
      %dma_wait3A_777 = arith.constant 0 : i32
      %dma_wait3A_778 = tpu.memref_slice %arg6[%dma_wait3A_775, %dma_wait3A_776, %dma_wait3A_777] : memref<7x128x128xf32, #tpu.memory_space<vmem>> -> memref<1x128x128xf32, #tpu.memory_space<vmem>>
      %dma_wait3A_779 = tpu.memref_squeeze %dma_wait3A_778 : memref<1x128x128xf32, #tpu.memory_space<vmem>> -> memref<128x128xf32, #tpu.memory_space<vmem>>
      %dma_wait3A_780 = arith.constant 0 : i32
      %dma_wait3A_781 = arith.constant 0 : i32
      %dma_wait3A_782 = tpu.memref_slice %arg4[%dma_wait3A_780, %dma_wait3A_781] : memref<262144x128xf32, #tpu.memory_space<hbm>> -> memref<128x128xf32, #tpu.memory_space<hbm>>
      %dma_wait3A_783 = arith.constant 0 : i32
      %dma_wait3A_784 = arith.constant 0 : i32
      %dma_wait3A_785 = tpu.memref_slice %arg4[%dma_wait3A_783, %dma_wait3A_784] : memref<262144x128xf32, #tpu.memory_space<hbm>> -> memref<128x128xf32, #tpu.memory_space<hbm>>
      %dma_wait3A_786 = arith.constant 0 : i32
      %dma_wait3A_787 = arith.constant 0 : i32
      %dma_wait3A_788 = tpu.memref_slice %arg6[%dma_wait3A_775, %dma_wait3A_786, %dma_wait3A_787] : memref<7x128x128xf32, #tpu.memory_space<vmem>> -> memref<1x128x128xf32, #tpu.memory_space<vmem>>
      %dma_wait3A_789 = tpu.memref_squeeze %dma_wait3A_788 : memref<1x128x128xf32, #tpu.memory_space<vmem>> -> memref<128x128xf32, #tpu.memory_space<vmem>>
      tpu.wait_dma2 semaphore(%arg20 : memref<!tpu.dma_semaphore, #tpu.memory_space<semaphore_mem>>) src(%dma_wait3A_789 : memref<128x128xf32, #tpu.memory_space<vmem>>) dst(%dma_wait3A_785 : memref<128x128xf32, #tpu.memory_space<hbm>>)
      %dma_start3A_790 = arith.constant 6 : i32
      %dma_start3A_791 = arith.constant 0 : i32
      %dma_start3A_792 = arith.constant 0 : i32
      %dma_start3A_793 = tpu.memref_slice %arg6[%dma_start3A_790, %dma_start3A_791, %dma_start3A_792] : memref<7x128x128xf32, #tpu.memory_space<vmem>> -> memref<1x128x128xf32, #tpu.memory_space<vmem>>
      %dma_start3A_794 = tpu.memref_squeeze %dma_start3A_793 : memref<1x128x128xf32, #tpu.memory_space<vmem>> -> memref<128x128xf32, #tpu.memory_space<vmem>>
      %dma_start3A_795 = arith.constant 0 : i32
      %dma_start3A_796 = tpu.memref_slice %arg5[%add3A_774, %dma_start3A_795] : memref<64x128xi32, #tpu.memory_space<vmem>> -> memref<1x128xi32, #tpu.memory_space<vmem>>
      %dma_start3A_797 = tpu.memref_squeeze %dma_start3A_796 : memref<1x128xi32, #tpu.memory_space<vmem>> -> memref<128xi32, #tpu.memory_space<vmem>>
      %dma_start3A_798 = arith.constant 0 : i32
      %dma_start3A_799 = arith.constant 0 : i32
      %dma_start3A_800 = tpu.memref_slice %arg2[%dma_start3A_798, %dma_start3A_799] : memref<16384x128xf32, #tpu.memory_space<hbm>> -> memref<16384x128xf32, #tpu.memory_space<hbm>>
      tpu.enqueue_indirect_dma source(%dma_start3A_800 : memref<16384x128xf32, #tpu.memory_space<hbm>>) target(%dma_start3A_794 : memref<128x128xf32, #tpu.memory_space<vmem>>) offsets(%dma_start3A_797 : memref<128xi32, #tpu.memory_space<vmem>>) semaphore(%arg13 : memref<!tpu.dma_semaphore, #tpu.memory_space<semaphore_mem>>)
      %dma_wait3A_801 = arith.constant 3 : i32
      %dma_wait3A_802 = arith.constant 0 : i32
      %dma_wait3A_803 = arith.constant 0 : i32
      %dma_wait3A_804 = tpu.memref_slice %arg6[%dma_wait3A_801, %dma_wait3A_802, %dma_wait3A_803] : memref<7x128x128xf32, #tpu.memory_space<vmem>> -> memref<1x128x128xf32, #tpu.memory_space<vmem>>
      %dma_wait3A_805 = tpu.memref_squeeze %dma_wait3A_804 : memref<1x128x128xf32, #tpu.memory_space<vmem>> -> memref<128x128xf32, #tpu.memory_space<vmem>>
      %dma_wait3A_806 = arith.constant 0 : i32
      %dma_wait3A_807 = arith.constant 0 : i32
      %dma_wait3A_808 = tpu.memref_slice %arg2[%dma_wait3A_806, %dma_wait3A_807] : memref<16384x128xf32, #tpu.memory_space<hbm>> -> memref<128x128xf32, #tpu.memory_space<hbm>>
      %dma_wait3A_809 = arith.constant 0 : i32
      %dma_wait3A_810 = arith.constant 0 : i32
      %dma_wait3A_811 = tpu.memref_slice %arg6[%dma_wait3A_801, %dma_wait3A_809, %dma_wait3A_810] : memref<7x128x128xf32, #tpu.memory_space<vmem>> -> memref<1x128x128xf32, #tpu.memory_space<vmem>>
      %dma_wait3A_812 = tpu.memref_squeeze %dma_wait3A_811 : memref<1x128x128xf32, #tpu.memory_space<vmem>> -> memref<128x128xf32, #tpu.memory_space<vmem>>
      %dma_wait3A_813 = arith.constant 0 : i32
      %dma_wait3A_814 = arith.constant 0 : i32
      %dma_wait3A_815 = tpu.memref_slice %arg2[%dma_wait3A_813, %dma_wait3A_814] : memref<16384x128xf32, #tpu.memory_space<hbm>> -> memref<128x128xf32, #tpu.memory_space<hbm>>
      tpu.wait_dma2 semaphore(%arg10 : memref<!tpu.dma_semaphore, #tpu.memory_space<semaphore_mem>>) src(%dma_wait3A_815 : memref<128x128xf32, #tpu.memory_space<hbm>>) dst(%dma_wait3A_812 : memref<128x128xf32, #tpu.memory_space<vmem>>)
      %sub3A_816 = arith.constant 3 : i32
      %sub3A_817 = arith.subi %add3A_774, %sub3A_816 : i32
      %mul3A_818 = arith.constant 128 : i32
      %mul3A_819 = arith.muli %sub3A_817, %mul3A_818 : i32
      %add3A_820 = arith.addi %mul3A_4, %mul3A_819 : i32
      %dma_start3A_821 = arith.constant 3 : i32
      %dma_start3A_822 = arith.constant 0 : i32
      %dma_start3A_823 = arith.constant 0 : i32
      %dma_start3A_824 = tpu.memref_slice %arg6[%dma_start3A_821, %dma_start3A_822, %dma_start3A_823] : memref<7x128x128xf32, #tpu.memory_space<vmem>> -> memref<1x128x128xf32, #tpu.memory_space<vmem>>
      %dma_start3A_825 = tpu.memref_squeeze %dma_start3A_824 : memref<1x128x128xf32, #tpu.memory_space<vmem>> -> memref<128x128xf32, #tpu.memory_space<vmem>>
      %dma_start3A_826 = arith.constant 0 : i32
      %dma_start3A_827 = tpu.memref_slice %arg4[%add3A_820, %dma_start3A_826] : memref<262144x128xf32, #tpu.memory_space<hbm>> -> memref<128x128xf32, #tpu.memory_space<hbm>>
      %dma_start3A_828 = arith.constant 0 : i32
      %dma_start3A_829 = tpu.memref_slice %arg4[%add3A_820, %dma_start3A_828] : memref<262144x128xf32, #tpu.memory_space<hbm>> -> memref<128x128xf32, #tpu.memory_space<hbm>>
      %dma_start3A_830 = arith.constant 0 : i32
      %dma_start3A_831 = arith.constant 0 : i32
      %dma_start3A_832 = tpu.memref_slice %arg6[%dma_start3A_821, %dma_start3A_830, %dma_start3A_831] : memref<7x128x128xf32, #tpu.memory_space<vmem>> -> memref<1x128x128xf32, #tpu.memory_space<vmem>>
      %dma_start3A_833 = tpu.memref_squeeze %dma_start3A_832 : memref<1x128x128xf32, #tpu.memory_space<vmem>> -> memref<128x128xf32, #tpu.memory_space<vmem>>
      tpu.enqueue_dma source(%dma_start3A_833 : memref<128x128xf32, #tpu.memory_space<vmem>>) target(%dma_start3A_829 : memref<128x128xf32, #tpu.memory_space<hbm>>) target_semaphore(%arg17 : memref<!tpu.dma_semaphore, #tpu.memory_space<semaphore_mem>>)
      %add3A_834 = arith.constant 6 : i32
      %add3A_835 = arith.addi %add3A_468, %add3A_834 : i32
      %dma_wait3A_836 = arith.constant 0 : i32
      %dma_wait3A_837 = arith.constant 0 : i32
      %dma_wait3A_838 = arith.constant 0 : i32
      %dma_wait3A_839 = tpu.memref_slice %arg6[%dma_wait3A_836, %dma_wait3A_837, %dma_wait3A_838] : memref<7x128x128xf32, #tpu.memory_space<vmem>> -> memref<1x128x128xf32, #tpu.memory_space<vmem>>
      %dma_wait3A_840 = tpu.memref_squeeze %dma_wait3A_839 : memref<1x128x128xf32, #tpu.memory_space<vmem>> -> memref<128x128xf32, #tpu.memory_space<vmem>>
      %dma_wait3A_841 = arith.constant 0 : i32
      %dma_wait3A_842 = arith.constant 0 : i32
      %dma_wait3A_843 = tpu.memref_slice %arg4[%dma_wait3A_841, %dma_wait3A_842] : memref<262144x128xf32, #tpu.memory_space<hbm>> -> memref<128x128xf32, #tpu.memory_space<hbm>>
      %dma_wait3A_844 = arith.constant 0 : i32
      %dma_wait3A_845 = arith.constant 0 : i32
      %dma_wait3A_846 = tpu.memref_slice %arg4[%dma_wait3A_844, %dma_wait3A_845] : memref<262144x128xf32, #tpu.memory_space<hbm>> -> memref<128x128xf32, #tpu.memory_space<hbm>>
      %dma_wait3A_847 = arith.constant 0 : i32
      %dma_wait3A_848 = arith.constant 0 : i32
      %dma_wait3A_849 = tpu.memref_slice %arg6[%dma_wait3A_836, %dma_wait3A_847, %dma_wait3A_848] : memref<7x128x128xf32, #tpu.memory_space<vmem>> -> memref<1x128x128xf32, #tpu.memory_space<vmem>>
      %dma_wait3A_850 = tpu.memref_squeeze %dma_wait3A_849 : memref<1x128x128xf32, #tpu.memory_space<vmem>> -> memref<128x128xf32, #tpu.memory_space<vmem>>
      tpu.wait_dma2 semaphore(%arg14 : memref<!tpu.dma_semaphore, #tpu.memory_space<semaphore_mem>>) src(%dma_wait3A_850 : memref<128x128xf32, #tpu.memory_space<vmem>>) dst(%dma_wait3A_846 : memref<128x128xf32, #tpu.memory_space<hbm>>)
      %dma_start3A_851 = arith.constant 0 : i32
      %dma_start3A_852 = arith.constant 0 : i32
      %dma_start3A_853 = arith.constant 0 : i32
      %dma_start3A_854 = tpu.memref_slice %arg6[%dma_start3A_851, %dma_start3A_852, %dma_start3A_853] : memref<7x128x128xf32, #tpu.memory_space<vmem>> -> memref<1x128x128xf32, #tpu.memory_space<vmem>>
      %dma_start3A_855 = tpu.memref_squeeze %dma_start3A_854 : memref<1x128x128xf32, #tpu.memory_space<vmem>> -> memref<128x128xf32, #tpu.memory_space<vmem>>
      %dma_start3A_856 = arith.constant 0 : i32
      %dma_start3A_857 = tpu.memref_slice %arg5[%add3A_835, %dma_start3A_856] : memref<64x128xi32, #tpu.memory_space<vmem>> -> memref<1x128xi32, #tpu.memory_space<vmem>>
      %dma_start3A_858 = tpu.memref_squeeze %dma_start3A_857 : memref<1x128xi32, #tpu.memory_space<vmem>> -> memref<128xi32, #tpu.memory_space<vmem>>
      %dma_start3A_859 = arith.constant 0 : i32
      %dma_start3A_860 = arith.constant 0 : i32
      %dma_start3A_861 = tpu.memref_slice %arg2[%dma_start3A_859, %dma_start3A_860] : memref<16384x128xf32, #tpu.memory_space<hbm>> -> memref<16384x128xf32, #tpu.memory_space<hbm>>
      tpu.enqueue_indirect_dma source(%dma_start3A_861 : memref<16384x128xf32, #tpu.memory_space<hbm>>) target(%dma_start3A_855 : memref<128x128xf32, #tpu.memory_space<vmem>>) offsets(%dma_start3A_858 : memref<128xi32, #tpu.memory_space<vmem>>) semaphore(%arg7 : memref<!tpu.dma_semaphore, #tpu.memory_space<semaphore_mem>>)
      %dma_wait3A_862 = arith.constant 4 : i32
      %dma_wait3A_863 = arith.constant 0 : i32
      %dma_wait3A_864 = arith.constant 0 : i32
      %dma_wait3A_865 = tpu.memref_slice %arg6[%dma_wait3A_862, %dma_wait3A_863, %dma_wait3A_864] : memref<7x128x128xf32, #tpu.memory_space<vmem>> -> memref<1x128x128xf32, #tpu.memory_space<vmem>>
      %dma_wait3A_866 = tpu.memref_squeeze %dma_wait3A_865 : memref<1x128x128xf32, #tpu.memory_space<vmem>> -> memref<128x128xf32, #tpu.memory_space<vmem>>
      %dma_wait3A_867 = arith.constant 0 : i32
      %dma_wait3A_868 = arith.constant 0 : i32
      %dma_wait3A_869 = tpu.memref_slice %arg2[%dma_wait3A_867, %dma_wait3A_868] : memref<16384x128xf32, #tpu.memory_space<hbm>> -> memref<128x128xf32, #tpu.memory_space<hbm>>
      %dma_wait3A_870 = arith.constant 0 : i32
      %dma_wait3A_871 = arith.constant 0 : i32
      %dma_wait3A_872 = tpu.memref_slice %arg6[%dma_wait3A_862, %dma_wait3A_870, %dma_wait3A_871] : memref<7x128x128xf32, #tpu.memory_space<vmem>> -> memref<1x128x128xf32, #tpu.memory_space<vmem>>
      %dma_wait3A_873 = tpu.memref_squeeze %dma_wait3A_872 : memref<1x128x128xf32, #tpu.memory_space<vmem>> -> memref<128x128xf32, #tpu.memory_space<vmem>>
      %dma_wait3A_874 = arith.constant 0 : i32
      %dma_wait3A_875 = arith.constant 0 : i32
      %dma_wait3A_876 = tpu.memref_slice %arg2[%dma_wait3A_874, %dma_wait3A_875] : memref<16384x128xf32, #tpu.memory_space<hbm>> -> memref<128x128xf32, #tpu.memory_space<hbm>>
      tpu.wait_dma2 semaphore(%arg11 : memref<!tpu.dma_semaphore, #tpu.memory_space<semaphore_mem>>) src(%dma_wait3A_876 : memref<128x128xf32, #tpu.memory_space<hbm>>) dst(%dma_wait3A_873 : memref<128x128xf32, #tpu.memory_space<vmem>>)
      %sub3A_877 = arith.constant 3 : i32
      %sub3A_878 = arith.subi %add3A_835, %sub3A_877 : i32
      %mul3A_879 = arith.constant 128 : i32
      %mul3A_880 = arith.muli %sub3A_878, %mul3A_879 : i32
      %add3A_881 = arith.addi %mul3A_4, %mul3A_880 : i32
      %dma_start3A_882 = arith.constant 4 : i32
      %dma_start3A_883 = arith.constant 0 : i32
      %dma_start3A_884 = arith.constant 0 : i32
      %dma_start3A_885 = tpu.memref_slice %arg6[%dma_start3A_882, %dma_start3A_883, %dma_start3A_884] : memref<7x128x128xf32, #tpu.memory_space<vmem>> -> memref<1x128x128xf32, #tpu.memory_space<vmem>>
      %dma_start3A_886 = tpu.memref_squeeze %dma_start3A_885 : memref<1x128x128xf32, #tpu.memory_space<vmem>> -> memref<128x128xf32, #tpu.memory_space<vmem>>
      %dma_start3A_887 = arith.constant 0 : i32
      %dma_start3A_888 = tpu.memref_slice %arg4[%add3A_881, %dma_start3A_887] : memref<262144x128xf32, #tpu.memory_space<hbm>> -> memref<128x128xf32, #tpu.memory_space<hbm>>
      %dma_start3A_889 = arith.constant 0 : i32
      %dma_start3A_890 = tpu.memref_slice %arg4[%add3A_881, %dma_start3A_889] : memref<262144x128xf32, #tpu.memory_space<hbm>> -> memref<128x128xf32, #tpu.memory_space<hbm>>
      %dma_start3A_891 = arith.constant 0 : i32
      %dma_start3A_892 = arith.constant 0 : i32
      %dma_start3A_893 = tpu.memref_slice %arg6[%dma_start3A_882, %dma_start3A_891, %dma_start3A_892] : memref<7x128x128xf32, #tpu.memory_space<vmem>> -> memref<1x128x128xf32, #tpu.memory_space<vmem>>
      %dma_start3A_894 = tpu.memref_squeeze %dma_start3A_893 : memref<1x128x128xf32, #tpu.memory_space<vmem>> -> memref<128x128xf32, #tpu.memory_space<vmem>>
      tpu.enqueue_dma source(%dma_start3A_894 : memref<128x128xf32, #tpu.memory_space<vmem>>) target(%dma_start3A_890 : memref<128x128xf32, #tpu.memory_space<hbm>>) target_semaphore(%arg18 : memref<!tpu.dma_semaphore, #tpu.memory_space<semaphore_mem>>)
    }
    %scan3A_268 = arith.constant 8 : i32
    %dma_wait3A_269 = arith.constant 5 : i32
    %dma_wait3A_270 = arith.constant 0 : i32
    %dma_wait3A_271 = arith.constant 0 : i32
    %dma_wait3A_272 = tpu.memref_slice %arg6[%dma_wait3A_269, %dma_wait3A_270, %dma_wait3A_271] : memref<7x128x128xf32, #tpu.memory_space<vmem>> -> memref<1x128x128xf32, #tpu.memory_space<vmem>>
    %dma_wait3A_273 = tpu.memref_squeeze %dma_wait3A_272 : memref<1x128x128xf32, #tpu.memory_space<vmem>> -> memref<128x128xf32, #tpu.memory_space<vmem>>
    %dma_wait3A_274 = arith.constant 0 : i32
    %dma_wait3A_275 = arith.constant 0 : i32
    %dma_wait3A_276 = tpu.memref_slice %arg2[%dma_wait3A_274, %dma_wait3A_275] : memref<16384x128xf32, #tpu.memory_space<hbm>> -> memref<128x128xf32, #tpu.memory_space<hbm>>
    %dma_wait3A_277 = arith.constant 0 : i32
    %dma_wait3A_278 = arith.constant 0 : i32
    %dma_wait3A_279 = tpu.memref_slice %arg6[%dma_wait3A_269, %dma_wait3A_277, %dma_wait3A_278] : memref<7x128x128xf32, #tpu.memory_space<vmem>> -> memref<1x128x128xf32, #tpu.memory_space<vmem>>
    %dma_wait3A_280 = tpu.memref_squeeze %dma_wait3A_279 : memref<1x128x128xf32, #tpu.memory_space<vmem>> -> memref<128x128xf32, #tpu.memory_space<vmem>>
    %dma_wait3A_281 = arith.constant 0 : i32
    %dma_wait3A_282 = arith.constant 0 : i32
    %dma_wait3A_283 = tpu.memref_slice %arg2[%dma_wait3A_281, %dma_wait3A_282] : memref<16384x128xf32, #tpu.memory_space<hbm>> -> memref<128x128xf32, #tpu.memory_space<hbm>>
    tpu.wait_dma2 semaphore(%arg12 : memref<!tpu.dma_semaphore, #tpu.memory_space<semaphore_mem>>) src(%dma_wait3A_283 : memref<128x128xf32, #tpu.memory_space<hbm>>) dst(%dma_wait3A_280 : memref<128x128xf32, #tpu.memory_space<vmem>>)
    %add3A_284 = arith.constant 7808 : i32
    %add3A_285 = arith.addi %mul3A_4, %add3A_284 : i32
    %dma_start3A_286 = arith.constant 5 : i32
    %dma_start3A_287 = arith.constant 0 : i32
    %dma_start3A_288 = arith.constant 0 : i32
    %dma_start3A_289 = tpu.memref_slice %arg6[%dma_start3A_286, %dma_start3A_287, %dma_start3A_288] : memref<7x128x128xf32, #tpu.memory_space<vmem>> -> memref<1x128x128xf32, #tpu.memory_space<vmem>>
    %dma_start3A_290 = tpu.memref_squeeze %dma_start3A_289 : memref<1x128x128xf32, #tpu.memory_space<vmem>> -> memref<128x128xf32, #tpu.memory_space<vmem>>
    %dma_start3A_291 = arith.constant 0 : i32
    %dma_start3A_292 = tpu.memref_slice %arg4[%add3A_285, %dma_start3A_291] : memref<262144x128xf32, #tpu.memory_space<hbm>> -> memref<128x128xf32, #tpu.memory_space<hbm>>
    %dma_start3A_293 = arith.constant 0 : i32
    %dma_start3A_294 = tpu.memref_slice %arg4[%add3A_285, %dma_start3A_293] : memref<262144x128xf32, #tpu.memory_space<hbm>> -> memref<128x128xf32, #tpu.memory_space<hbm>>
    %dma_start3A_295 = arith.constant 0 : i32
    %dma_start3A_296 = arith.constant 0 : i32
    %dma_start3A_297 = tpu.memref_slice %arg6[%dma_start3A_286, %dma_start3A_295, %dma_start3A_296] : memref<7x128x128xf32, #tpu.memory_space<vmem>> -> memref<1x128x128xf32, #tpu.memory_space<vmem>>
    %dma_start3A_298 = tpu.memref_squeeze %dma_start3A_297 : memref<1x128x128xf32, #tpu.memory_space<vmem>> -> memref<128x128xf32, #tpu.memory_space<vmem>>
    tpu.enqueue_dma source(%dma_start3A_298 : memref<128x128xf32, #tpu.memory_space<vmem>>) target(%dma_start3A_294 : memref<128x128xf32, #tpu.memory_space<hbm>>) target_semaphore(%arg19 : memref<!tpu.dma_semaphore, #tpu.memory_space<semaphore_mem>>)
    %dma_wait3A_299 = arith.constant 6 : i32
    %dma_wait3A_300 = arith.constant 0 : i32
    %dma_wait3A_301 = arith.constant 0 : i32
    %dma_wait3A_302 = tpu.memref_slice %arg6[%dma_wait3A_299, %dma_wait3A_300, %dma_wait3A_301] : memref<7x128x128xf32, #tpu.memory_space<vmem>> -> memref<1x128x128xf32, #tpu.memory_space<vmem>>
    %dma_wait3A_303 = tpu.memref_squeeze %dma_wait3A_302 : memref<1x128x128xf32, #tpu.memory_space<vmem>> -> memref<128x128xf32, #tpu.memory_space<vmem>>
    %dma_wait3A_304 = arith.constant 0 : i32
    %dma_wait3A_305 = arith.constant 0 : i32
    %dma_wait3A_306 = tpu.memref_slice %arg2[%dma_wait3A_304, %dma_wait3A_305] : memref<16384x128xf32, #tpu.memory_space<hbm>> -> memref<128x128xf32, #tpu.memory_space<hbm>>
    %dma_wait3A_307 = arith.constant 0 : i32
    %dma_wait3A_308 = arith.constant 0 : i32
    %dma_wait3A_309 = tpu.memref_slice %arg6[%dma_wait3A_299, %dma_wait3A_307, %dma_wait3A_308] : memref<7x128x128xf32, #tpu.memory_space<vmem>> -> memref<1x128x128xf32, #tpu.memory_space<vmem>>
    %dma_wait3A_310 = tpu.memref_squeeze %dma_wait3A_309 : memref<1x128x128xf32, #tpu.memory_space<vmem>> -> memref<128x128xf32, #tpu.memory_space<vmem>>
    %dma_wait3A_311 = arith.constant 0 : i32
    %dma_wait3A_312 = arith.constant 0 : i32
    %dma_wait3A_313 = tpu.memref_slice %arg2[%dma_wait3A_311, %dma_wait3A_312] : memref<16384x128xf32, #tpu.memory_space<hbm>> -> memref<128x128xf32, #tpu.memory_space<hbm>>
    tpu.wait_dma2 semaphore(%arg13 : memref<!tpu.dma_semaphore, #tpu.memory_space<semaphore_mem>>) src(%dma_wait3A_313 : memref<128x128xf32, #tpu.memory_space<hbm>>) dst(%dma_wait3A_310 : memref<128x128xf32, #tpu.memory_space<vmem>>)
    %add3A_314 = arith.constant 7936 : i32
    %add3A_315 = arith.addi %mul3A_4, %add3A_314 : i32
    %dma_start3A_316 = arith.constant 6 : i32
    %dma_start3A_317 = arith.constant 0 : i32
    %dma_start3A_318 = arith.constant 0 : i32
    %dma_start3A_319 = tpu.memref_slice %arg6[%dma_start3A_316, %dma_start3A_317, %dma_start3A_318] : memref<7x128x128xf32, #tpu.memory_space<vmem>> -> memref<1x128x128xf32, #tpu.memory_space<vmem>>
    %dma_start3A_320 = tpu.memref_squeeze %dma_start3A_319 : memref<1x128x128xf32, #tpu.memory_space<vmem>> -> memref<128x128xf32, #tpu.memory_space<vmem>>
    %dma_start3A_321 = arith.constant 0 : i32
    %dma_start3A_322 = tpu.memref_slice %arg4[%add3A_315, %dma_start3A_321] : memref<262144x128xf32, #tpu.memory_space<hbm>> -> memref<128x128xf32, #tpu.memory_space<hbm>>
    %dma_start3A_323 = arith.constant 0 : i32
    %dma_start3A_324 = tpu.memref_slice %arg4[%add3A_315, %dma_start3A_323] : memref<262144x128xf32, #tpu.memory_space<hbm>> -> memref<128x128xf32, #tpu.memory_space<hbm>>
    %dma_start3A_325 = arith.constant 0 : i32
    %dma_start3A_326 = arith.constant 0 : i32
    %dma_start3A_327 = tpu.memref_slice %arg6[%dma_start3A_316, %dma_start3A_325, %dma_start3A_326] : memref<7x128x128xf32, #tpu.memory_space<vmem>> -> memref<1x128x128xf32, #tpu.memory_space<vmem>>
    %dma_start3A_328 = tpu.memref_squeeze %dma_start3A_327 : memref<1x128x128xf32, #tpu.memory_space<vmem>> -> memref<128x128xf32, #tpu.memory_space<vmem>>
    tpu.enqueue_dma source(%dma_start3A_328 : memref<128x128xf32, #tpu.memory_space<vmem>>) target(%dma_start3A_324 : memref<128x128xf32, #tpu.memory_space<hbm>>) target_semaphore(%arg20 : memref<!tpu.dma_semaphore, #tpu.memory_space<semaphore_mem>>)
    %dma_wait3A_329 = arith.constant 0 : i32
    %dma_wait3A_330 = arith.constant 0 : i32
    %dma_wait3A_331 = arith.constant 0 : i32
    %dma_wait3A_332 = tpu.memref_slice %arg6[%dma_wait3A_329, %dma_wait3A_330, %dma_wait3A_331] : memref<7x128x128xf32, #tpu.memory_space<vmem>> -> memref<1x128x128xf32, #tpu.memory_space<vmem>>
    %dma_wait3A_333 = tpu.memref_squeeze %dma_wait3A_332 : memref<1x128x128xf32, #tpu.memory_space<vmem>> -> memref<128x128xf32, #tpu.memory_space<vmem>>
    %dma_wait3A_334 = arith.constant 0 : i32
    %dma_wait3A_335 = arith.constant 0 : i32
    %dma_wait3A_336 = tpu.memref_slice %arg2[%dma_wait3A_334, %dma_wait3A_335] : memref<16384x128xf32, #tpu.memory_space<hbm>> -> memref<128x128xf32, #tpu.memory_space<hbm>>
    %dma_wait3A_337 = arith.constant 0 : i32
    %dma_wait3A_338 = arith.constant 0 : i32
    %dma_wait3A_339 = tpu.memref_slice %arg6[%dma_wait3A_329, %dma_wait3A_337, %dma_wait3A_338] : memref<7x128x128xf32, #tpu.memory_space<vmem>> -> memref<1x128x128xf32, #tpu.memory_space<vmem>>
    %dma_wait3A_340 = tpu.memref_squeeze %dma_wait3A_339 : memref<1x128x128xf32, #tpu.memory_space<vmem>> -> memref<128x128xf32, #tpu.memory_space<vmem>>
    %dma_wait3A_341 = arith.constant 0 : i32
    %dma_wait3A_342 = arith.constant 0 : i32
    %dma_wait3A_343 = tpu.memref_slice %arg2[%dma_wait3A_341, %dma_wait3A_342] : memref<16384x128xf32, #tpu.memory_space<hbm>> -> memref<128x128xf32, #tpu.memory_space<hbm>>
    tpu.wait_dma2 semaphore(%arg7 : memref<!tpu.dma_semaphore, #tpu.memory_space<semaphore_mem>>) src(%dma_wait3A_343 : memref<128x128xf32, #tpu.memory_space<hbm>>) dst(%dma_wait3A_340 : memref<128x128xf32, #tpu.memory_space<vmem>>)
    %add3A_344 = arith.constant 8064 : i32
    %add3A_345 = arith.addi %mul3A_4, %add3A_344 : i32
    %dma_start3A_346 = arith.constant 0 : i32
    %dma_start3A_347 = arith.constant 0 : i32
    %dma_start3A_348 = arith.constant 0 : i32
    %dma_start3A_349 = tpu.memref_slice %arg6[%dma_start3A_346, %dma_start3A_347, %dma_start3A_348] : memref<7x128x128xf32, #tpu.memory_space<vmem>> -> memref<1x128x128xf32, #tpu.memory_space<vmem>>
    %dma_start3A_350 = tpu.memref_squeeze %dma_start3A_349 : memref<1x128x128xf32, #tpu.memory_space<vmem>> -> memref<128x128xf32, #tpu.memory_space<vmem>>
    %dma_start3A_351 = arith.constant 0 : i32
    %dma_start3A_352 = tpu.memref_slice %arg4[%add3A_345, %dma_start3A_351] : memref<262144x128xf32, #tpu.memory_space<hbm>> -> memref<128x128xf32, #tpu.memory_space<hbm>>
    %dma_start3A_353 = arith.constant 0 : i32
    %dma_start3A_354 = tpu.memref_slice %arg4[%add3A_345, %dma_start3A_353] : memref<262144x128xf32, #tpu.memory_space<hbm>> -> memref<128x128xf32, #tpu.memory_space<hbm>>
    %dma_start3A_355 = arith.constant 0 : i32
    %dma_start3A_356 = arith.constant 0 : i32
    %dma_start3A_357 = tpu.memref_slice %arg6[%dma_start3A_346, %dma_start3A_355, %dma_start3A_356] : memref<7x128x128xf32, #tpu.memory_space<vmem>> -> memref<1x128x128xf32, #tpu.memory_space<vmem>>
    %dma_start3A_358 = tpu.memref_squeeze %dma_start3A_357 : memref<1x128x128xf32, #tpu.memory_space<vmem>> -> memref<128x128xf32, #tpu.memory_space<vmem>>
    tpu.enqueue_dma source(%dma_start3A_358 : memref<128x128xf32, #tpu.memory_space<vmem>>) target(%dma_start3A_354 : memref<128x128xf32, #tpu.memory_space<hbm>>) target_semaphore(%arg14 : memref<!tpu.dma_semaphore, #tpu.memory_space<semaphore_mem>>)
    %dma_wait3A_359 = arith.constant 1 : i32
    %dma_wait3A_360 = arith.constant 0 : i32
    %dma_wait3A_361 = arith.constant 0 : i32
    %dma_wait3A_362 = tpu.memref_slice %arg6[%dma_wait3A_359, %dma_wait3A_360, %dma_wait3A_361] : memref<7x128x128xf32, #tpu.memory_space<vmem>> -> memref<1x128x128xf32, #tpu.memory_space<vmem>>
    %dma_wait3A_363 = tpu.memref_squeeze %dma_wait3A_362 : memref<1x128x128xf32, #tpu.memory_space<vmem>> -> memref<128x128xf32, #tpu.memory_space<vmem>>
    %dma_wait3A_364 = arith.constant 0 : i32
    %dma_wait3A_365 = arith.constant 0 : i32
    %dma_wait3A_366 = tpu.memref_slice %arg4[%dma_wait3A_364, %dma_wait3A_365] : memref<262144x128xf32, #tpu.memory_space<hbm>> -> memref<128x128xf32, #tpu.memory_space<hbm>>
    %dma_wait3A_367 = arith.constant 0 : i32
    %dma_wait3A_368 = arith.constant 0 : i32
    %dma_wait3A_369 = tpu.memref_slice %arg4[%dma_wait3A_367, %dma_wait3A_368] : memref<262144x128xf32, #tpu.memory_space<hbm>> -> memref<128x128xf32, #tpu.memory_space<hbm>>
    %dma_wait3A_370 = arith.constant 0 : i32
    %dma_wait3A_371 = arith.constant 0 : i32
    %dma_wait3A_372 = tpu.memref_slice %arg6[%dma_wait3A_359, %dma_wait3A_370, %dma_wait3A_371] : memref<7x128x128xf32, #tpu.memory_space<vmem>> -> memref<1x128x128xf32, #tpu.memory_space<vmem>>
    %dma_wait3A_373 = tpu.memref_squeeze %dma_wait3A_372 : memref<1x128x128xf32, #tpu.memory_space<vmem>> -> memref<128x128xf32, #tpu.memory_space<vmem>>
    tpu.wait_dma2 semaphore(%arg15 : memref<!tpu.dma_semaphore, #tpu.memory_space<semaphore_mem>>) src(%dma_wait3A_373 : memref<128x128xf32, #tpu.memory_space<vmem>>) dst(%dma_wait3A_369 : memref<128x128xf32, #tpu.memory_space<hbm>>)
    %dma_wait3A_374 = arith.constant 2 : i32
    %dma_wait3A_375 = arith.constant 0 : i32
    %dma_wait3A_376 = arith.constant 0 : i32
    %dma_wait3A_377 = tpu.memref_slice %arg6[%dma_wait3A_374, %dma_wait3A_375, %dma_wait3A_376] : memref<7x128x128xf32, #tpu.memory_space<vmem>> -> memref<1x128x128xf32, #tpu.memory_space<vmem>>
    %dma_wait3A_378 = tpu.memref_squeeze %dma_wait3A_377 : memref<1x128x128xf32, #tpu.memory_space<vmem>> -> memref<128x128xf32, #tpu.memory_space<vmem>>
    %dma_wait3A_379 = arith.constant 0 : i32
    %dma_wait3A_380 = arith.constant 0 : i32
    %dma_wait3A_381 = tpu.memref_slice %arg4[%dma_wait3A_379, %dma_wait3A_380] : memref<262144x128xf32, #tpu.memory_space<hbm>> -> memref<128x128xf32, #tpu.memory_space<hbm>>
    %dma_wait3A_382 = arith.constant 0 : i32
    %dma_wait3A_383 = arith.constant 0 : i32
    %dma_wait3A_384 = tpu.memref_slice %arg4[%dma_wait3A_382, %dma_wait3A_383] : memref<262144x128xf32, #tpu.memory_space<hbm>> -> memref<128x128xf32, #tpu.memory_space<hbm>>
    %dma_wait3A_385 = arith.constant 0 : i32
    %dma_wait3A_386 = arith.constant 0 : i32
    %dma_wait3A_387 = tpu.memref_slice %arg6[%dma_wait3A_374, %dma_wait3A_385, %dma_wait3A_386] : memref<7x128x128xf32, #tpu.memory_space<vmem>> -> memref<1x128x128xf32, #tpu.memory_space<vmem>>
    %dma_wait3A_388 = tpu.memref_squeeze %dma_wait3A_387 : memref<1x128x128xf32, #tpu.memory_space<vmem>> -> memref<128x128xf32, #tpu.memory_space<vmem>>
    tpu.wait_dma2 semaphore(%arg16 : memref<!tpu.dma_semaphore, #tpu.memory_space<semaphore_mem>>) src(%dma_wait3A_388 : memref<128x128xf32, #tpu.memory_space<vmem>>) dst(%dma_wait3A_384 : memref<128x128xf32, #tpu.memory_space<hbm>>)
    %dma_wait3A_389 = arith.constant 3 : i32
    %dma_wait3A_390 = arith.constant 0 : i32
    %dma_wait3A_391 = arith.constant 0 : i32
    %dma_wait3A_392 = tpu.memref_slice %arg6[%dma_wait3A_389, %dma_wait3A_390, %dma_wait3A_391] : memref<7x128x128xf32, #tpu.memory_space<vmem>> -> memref<1x128x128xf32, #tpu.memory_space<vmem>>
    %dma_wait3A_393 = tpu.memref_squeeze %dma_wait3A_392 : memref<1x128x128xf32, #tpu.memory_space<vmem>> -> memref<128x128xf32, #tpu.memory_space<vmem>>
    %dma_wait3A_394 = arith.constant 0 : i32
    %dma_wait3A_395 = arith.constant 0 : i32
    %dma_wait3A_396 = tpu.memref_slice %arg4[%dma_wait3A_394, %dma_wait3A_395] : memref<262144x128xf32, #tpu.memory_space<hbm>> -> memref<128x128xf32, #tpu.memory_space<hbm>>
    %dma_wait3A_397 = arith.constant 0 : i32
    %dma_wait3A_398 = arith.constant 0 : i32
    %dma_wait3A_399 = tpu.memref_slice %arg4[%dma_wait3A_397, %dma_wait3A_398] : memref<262144x128xf32, #tpu.memory_space<hbm>> -> memref<128x128xf32, #tpu.memory_space<hbm>>
    %dma_wait3A_400 = arith.constant 0 : i32
    %dma_wait3A_401 = arith.constant 0 : i32
    %dma_wait3A_402 = tpu.memref_slice %arg6[%dma_wait3A_389, %dma_wait3A_400, %dma_wait3A_401] : memref<7x128x128xf32, #tpu.memory_space<vmem>> -> memref<1x128x128xf32, #tpu.memory_space<vmem>>
    %dma_wait3A_403 = tpu.memref_squeeze %dma_wait3A_402 : memref<1x128x128xf32, #tpu.memory_space<vmem>> -> memref<128x128xf32, #tpu.memory_space<vmem>>
    tpu.wait_dma2 semaphore(%arg17 : memref<!tpu.dma_semaphore, #tpu.memory_space<semaphore_mem>>) src(%dma_wait3A_403 : memref<128x128xf32, #tpu.memory_space<vmem>>) dst(%dma_wait3A_399 : memref<128x128xf32, #tpu.memory_space<hbm>>)
    %dma_wait3A_404 = arith.constant 4 : i32
    %dma_wait3A_405 = arith.constant 0 : i32
    %dma_wait3A_406 = arith.constant 0 : i32
    %dma_wait3A_407 = tpu.memref_slice %arg6[%dma_wait3A_404, %dma_wait3A_405, %dma_wait3A_406] : memref<7x128x128xf32, #tpu.memory_space<vmem>> -> memref<1x128x128xf32, #tpu.memory_space<vmem>>
    %dma_wait3A_408 = tpu.memref_squeeze %dma_wait3A_407 : memref<1x128x128xf32, #tpu.memory_space<vmem>> -> memref<128x128xf32, #tpu.memory_space<vmem>>
    %dma_wait3A_409 = arith.constant 0 : i32
    %dma_wait3A_410 = arith.constant 0 : i32
    %dma_wait3A_411 = tpu.memref_slice %arg4[%dma_wait3A_409, %dma_wait3A_410] : memref<262144x128xf32, #tpu.memory_space<hbm>> -> memref<128x128xf32, #tpu.memory_space<hbm>>
    %dma_wait3A_412 = arith.constant 0 : i32
    %dma_wait3A_413 = arith.constant 0 : i32
    %dma_wait3A_414 = tpu.memref_slice %arg4[%dma_wait3A_412, %dma_wait3A_413] : memref<262144x128xf32, #tpu.memory_space<hbm>> -> memref<128x128xf32, #tpu.memory_space<hbm>>
    %dma_wait3A_415 = arith.constant 0 : i32
    %dma_wait3A_416 = arith.constant 0 : i32
    %dma_wait3A_417 = tpu.memref_slice %arg6[%dma_wait3A_404, %dma_wait3A_415, %dma_wait3A_416] : memref<7x128x128xf32, #tpu.memory_space<vmem>> -> memref<1x128x128xf32, #tpu.memory_space<vmem>>
    %dma_wait3A_418 = tpu.memref_squeeze %dma_wait3A_417 : memref<1x128x128xf32, #tpu.memory_space<vmem>> -> memref<128x128xf32, #tpu.memory_space<vmem>>
    tpu.wait_dma2 semaphore(%arg18 : memref<!tpu.dma_semaphore, #tpu.memory_space<semaphore_mem>>) src(%dma_wait3A_418 : memref<128x128xf32, #tpu.memory_space<vmem>>) dst(%dma_wait3A_414 : memref<128x128xf32, #tpu.memory_space<hbm>>)
    %dma_wait3A_419 = arith.constant 5 : i32
    %dma_wait3A_420 = arith.constant 0 : i32
    %dma_wait3A_421 = arith.constant 0 : i32
    %dma_wait3A_422 = tpu.memref_slice %arg6[%dma_wait3A_419, %dma_wait3A_420, %dma_wait3A_421] : memref<7x128x128xf32, #tpu.memory_space<vmem>> -> memref<1x128x128xf32, #tpu.memory_space<vmem>>
    %dma_wait3A_423 = tpu.memref_squeeze %dma_wait3A_422 : memref<1x128x128xf32, #tpu.memory_space<vmem>> -> memref<128x128xf32, #tpu.memory_space<vmem>>
    %dma_wait3A_424 = arith.constant 0 : i32
    %dma_wait3A_425 = arith.constant 0 : i32
    %dma_wait3A_426 = tpu.memref_slice %arg4[%dma_wait3A_424, %dma_wait3A_425] : memref<262144x128xf32, #tpu.memory_space<hbm>> -> memref<128x128xf32, #tpu.memory_space<hbm>>
    %dma_wait3A_427 = arith.constant 0 : i32
    %dma_wait3A_428 = arith.constant 0 : i32
    %dma_wait3A_429 = tpu.memref_slice %arg4[%dma_wait3A_427, %dma_wait3A_428] : memref<262144x128xf32, #tpu.memory_space<hbm>> -> memref<128x128xf32, #tpu.memory_space<hbm>>
    %dma_wait3A_430 = arith.constant 0 : i32
    %dma_wait3A_431 = arith.constant 0 : i32
    %dma_wait3A_432 = tpu.memref_slice %arg6[%dma_wait3A_419, %dma_wait3A_430, %dma_wait3A_431] : memref<7x128x128xf32, #tpu.memory_space<vmem>> -> memref<1x128x128xf32, #tpu.memory_space<vmem>>
    %dma_wait3A_433 = tpu.memref_squeeze %dma_wait3A_432 : memref<1x128x128xf32, #tpu.memory_space<vmem>> -> memref<128x128xf32, #tpu.memory_space<vmem>>
    tpu.wait_dma2 semaphore(%arg19 : memref<!tpu.dma_semaphore, #tpu.memory_space<semaphore_mem>>) src(%dma_wait3A_433 : memref<128x128xf32, #tpu.memory_space<vmem>>) dst(%dma_wait3A_429 : memref<128x128xf32, #tpu.memory_space<hbm>>)
    %dma_wait3A_434 = arith.constant 6 : i32
    %dma_wait3A_435 = arith.constant 0 : i32
    %dma_wait3A_436 = arith.constant 0 : i32
    %dma_wait3A_437 = tpu.memref_slice %arg6[%dma_wait3A_434, %dma_wait3A_435, %dma_wait3A_436] : memref<7x128x128xf32, #tpu.memory_space<vmem>> -> memref<1x128x128xf32, #tpu.memory_space<vmem>>
    %dma_wait3A_438 = tpu.memref_squeeze %dma_wait3A_437 : memref<1x128x128xf32, #tpu.memory_space<vmem>> -> memref<128x128xf32, #tpu.memory_space<vmem>>
    %dma_wait3A_439 = arith.constant 0 : i32
    %dma_wait3A_440 = arith.constant 0 : i32
    %dma_wait3A_441 = tpu.memref_slice %arg4[%dma_wait3A_439, %dma_wait3A_440] : memref<262144x128xf32, #tpu.memory_space<hbm>> -> memref<128x128xf32, #tpu.memory_space<hbm>>
    %dma_wait3A_442 = arith.constant 0 : i32
    %dma_wait3A_443 = arith.constant 0 : i32
    %dma_wait3A_444 = tpu.memref_slice %arg4[%dma_wait3A_442, %dma_wait3A_443] : memref<262144x128xf32, #tpu.memory_space<hbm>> -> memref<128x128xf32, #tpu.memory_space<hbm>>
    %dma_wait3A_445 = arith.constant 0 : i32
    %dma_wait3A_446 = arith.constant 0 : i32
    %dma_wait3A_447 = tpu.memref_slice %arg6[%dma_wait3A_434, %dma_wait3A_445, %dma_wait3A_446] : memref<7x128x128xf32, #tpu.memory_space<vmem>> -> memref<1x128x128xf32, #tpu.memory_space<vmem>>
    %dma_wait3A_448 = tpu.memref_squeeze %dma_wait3A_447 : memref<1x128x128xf32, #tpu.memory_space<vmem>> -> memref<128x128xf32, #tpu.memory_space<vmem>>
    tpu.wait_dma2 semaphore(%arg20 : memref<!tpu.dma_semaphore, #tpu.memory_space<semaphore_mem>>) src(%dma_wait3A_448 : memref<128x128xf32, #tpu.memory_space<vmem>>) dst(%dma_wait3A_444 : memref<128x128xf32, #tpu.memory_space<hbm>>)
    %dma_wait3A_449 = arith.constant 0 : i32
    %dma_wait3A_450 = arith.constant 0 : i32
    %dma_wait3A_451 = arith.constant 0 : i32
    %dma_wait3A_452 = tpu.memref_slice %arg6[%dma_wait3A_449, %dma_wait3A_450, %dma_wait3A_451] : memref<7x128x128xf32, #tpu.memory_space<vmem>> -> memref<1x128x128xf32, #tpu.memory_space<vmem>>
    %dma_wait3A_453 = tpu.memref_squeeze %dma_wait3A_452 : memref<1x128x128xf32, #tpu.memory_space<vmem>> -> memref<128x128xf32, #tpu.memory_space<vmem>>
    %dma_wait3A_454 = arith.constant 0 : i32
    %dma_wait3A_455 = arith.constant 0 : i32
    %dma_wait3A_456 = tpu.memref_slice %arg4[%dma_wait3A_454, %dma_wait3A_455] : memref<262144x128xf32, #tpu.memory_space<hbm>> -> memref<128x128xf32, #tpu.memory_space<hbm>>
    %dma_wait3A_457 = arith.constant 0 : i32
    %dma_wait3A_458 = arith.constant 0 : i32
    %dma_wait3A_459 = tpu.memref_slice %arg4[%dma_wait3A_457, %dma_wait3A_458] : memref<262144x128xf32, #tpu.memory_space<hbm>> -> memref<128x128xf32, #tpu.memory_space<hbm>>
    %dma_wait3A_460 = arith.constant 0 : i32
    %dma_wait3A_461 = arith.constant 0 : i32
    %dma_wait3A_462 = tpu.memref_slice %arg6[%dma_wait3A_449, %dma_wait3A_460, %dma_wait3A_461] : memref<7x128x128xf32, #tpu.memory_space<vmem>> -> memref<1x128x128xf32, #tpu.memory_space<vmem>>
    %dma_wait3A_463 = tpu.memref_squeeze %dma_wait3A_462 : memref<1x128x128xf32, #tpu.memory_space<vmem>> -> memref<128x128xf32, #tpu.memory_space<vmem>>
    tpu.wait_dma2 semaphore(%arg14 : memref<!tpu.dma_semaphore, #tpu.memory_space<semaphore_mem>>) src(%dma_wait3A_463 : memref<128x128xf32, #tpu.memory_space<vmem>>) dst(%dma_wait3A_459 : memref<128x128xf32, #tpu.memory_space<hbm>>)
    return
  }
}

module attributes {stable_mosaic.version = 14 : i64} {
  func.func @body(%arg0: i32, %arg1: memref<64x3xf32, #tpu.memory_space<vmem>>, %arg2: memref<3x128xf32, #tpu.memory_space<vmem>>, %arg3: memref<1x128xf32, #tpu.memory_space<vmem>>, %arg4: memref<256x128xf32, #tpu.memory_space<vmem>>, %arg5: memref<2048x128xi32, #tpu.memory_space<vmem>>, %arg6: memref<64x256x128xf32, #tpu.memory_space<vmem>>, %arg7: memref<2048x128xi32, #tpu.memory_space<vmem>>) attributes {dimension_semantics = [#tpu.dimension_semantics<arbitrary>], iteration_bounds = array<i64: 1>, scalar_prefetch = 0 : i64, scratch_operands = 0 : i64, tpu.core_type = #tpu.core_type<tc>, window_params = [{transform_indices = @transform_0, window_bounds = array<i64: 64, 3>}, {pipeline_mode = #tpu.pipeline_mode<synchronous>, transform_indices = @transform_1, window_bounds = array<i64: 3, 128>}, {pipeline_mode = #tpu.pipeline_mode<synchronous>, transform_indices = @transform_2, window_bounds = array<i64: 1, 128>}, {pipeline_mode = #tpu.pipeline_mode<synchronous>, transform_indices = @transform_3, window_bounds = array<i64: 256, 128>}, {transform_indices = @transform_4, window_bounds = array<i64: 2048, 128>}, {transform_indices = @transform_5, window_bounds = array<i64: 64, 256, 128>}, {transform_indices = @transform_6, window_bounds = array<i64: 2048, 128>}]} {
    %get3A = arith.constant 0 : index
    %get3A_0 = arith.constant 0 : index
    %get3A_1 = vector.load %arg1[%get3A, %get3A_0] : memref<64x3xf32, #tpu.memory_space<vmem>>, vector<64x3xf32>
    %get3A_2 = arith.constant 0 : index
    %get3A_3 = arith.constant 0 : index
    %get3A_4 = vector.load %arg2[%get3A_2, %get3A_3] : memref<3x128xf32, #tpu.memory_space<vmem>>, vector<3x128xf32>
    %dot_general3A = arith.constant dense<0.000000e+00> : vector<64x128xf32>
    %dot_general3A_5 = tpu.matmul %get3A_1, %get3A_4, %dot_general3A {dimension_numbers = #tpu.dot_dimension_numbers<[1], [0], [0], [1], [0, 0, 1, 1], [], []>, transpose_lhs_hint = false} : vector<64x3xf32>, vector<3x128xf32>, vector<64x128xf32> -> vector<64x128xf32>
    %get3A_6 = arith.constant 0 : index
    %get3A_7 = arith.constant 0 : index
    %get3A_8 = vector.load %arg3[%get3A_6, %get3A_7] : memref<1x128xf32, #tpu.memory_space<vmem>>, vector<1x128xf32>
    %add3A = vector.broadcast %get3A_8 : vector<1x128xf32> to vector<64x128xf32>
    %add3A_9 = arith.addf %dot_general3A_5, %add3A : vector<64x128xf32>
    %get3A_10 = arith.constant 0 : index
    %get3A_11 = arith.constant 0 : index
    %get3A_12 = vector.load %arg4[%get3A_10, %get3A_11] : memref<256x128xf32, #tpu.memory_space<vmem>>, vector<256x128xf32>
    %broadcast_in_dim3A = vector.shape_cast %get3A_12 : vector<256x128xf32> to vector<1x256x128xf32>
    %broadcast_in_dim3A_13 = vector.shape_cast %add3A_9 : vector<64x128xf32> to vector<64x1x128xf32>
    %add3A_14 = vector.broadcast %broadcast_in_dim3A : vector<1x256x128xf32> to vector<64x256x128xf32>
    %add3A_15 = vector.broadcast %broadcast_in_dim3A_13 : vector<64x1x128xf32> to vector<64x256x128xf32>
    %add3A_16 = arith.addf %add3A_14, %add3A_15 : vector<64x256x128xf32>
    %swap3A = arith.constant 0 : index
    %swap3A_17 = arith.constant 0 : index
    %swap3A_18 = arith.constant 0 : index
    %swap3A_19 = vector.load %arg6[%swap3A, %swap3A_17, %swap3A_18] : memref<64x256x128xf32, #tpu.memory_space<vmem>>, vector<64x256x128xf32>
    tpu.vector_store %arg6[%swap3A, %swap3A_17, %swap3A_18], %add3A_16 {strides = array<i32>} : memref<64x256x128xf32, #tpu.memory_space<vmem>>, vector<64x256x128xf32>,
    %iota3A = tpu.iota {dimensions = array<i32: 0>} : vector<2048x128xi32>
    %rem3A = arith.constant 2 : i32
    %rem3A_20 = vector.broadcast %rem3A : i32 to vector<2048x128xi32>
    %rem3A_21 = arith.remsi %iota3A, %rem3A_20 : vector<2048x128xi32>
    %iota3A_22 = tpu.iota {dimensions = array<i32: 1>} : vector<2048x128xi32>
    %mul3A = arith.constant 128 : i32
    %mul3A_23 = vector.broadcast %mul3A : i32 to vector<2048x128xi32>
    %mul3A_24 = arith.muli %rem3A_21, %mul3A_23 : vector<2048x128xi32>
    %add3A_25 = arith.addi %mul3A_24, %iota3A_22 : vector<2048x128xi32>
    %lt3A = arith.constant 64 : i32
    %lt3A_26 = vector.broadcast %lt3A : i32 to vector<2048x128xi32>
    %lt3A_27 = arith.cmpi slt, %add3A_25, %lt3A_26 : vector<2048x128xi32>
    %sub3A = arith.constant 19 : i32
    %sub3A_28 = vector.broadcast %sub3A : i32 to vector<2048x128xi32>
    %sub3A_29 = arith.subi %add3A_25, %sub3A_28 : vector<2048x128xi32>
    %rem3A_30 = arith.constant 45 : i32
    %rem3A_31 = vector.broadcast %rem3A_30 : i32 to vector<2048x128xi32>
    %rem3A_32 = arith.remsi %sub3A_29, %rem3A_31 : vector<2048x128xi32>
    %add3A_33 = arith.constant 19 : i32
    %add3A_34 = vector.broadcast %add3A_33 : i32 to vector<2048x128xi32>
    %add3A_35 = arith.addi %add3A_34, %rem3A_32 : vector<2048x128xi32>
    %select_n3A = arith.select %lt3A_27, %add3A_25, %add3A_35 : vector<2048x128xi1>, vector<2048x128xi32>
    %get3A_36 = arith.constant 0 : index
    %get3A_37 = arith.constant 0 : index
    %get3A_38 = vector.load %arg5[%get3A_36, %get3A_37] : memref<2048x128xi32, #tpu.memory_space<vmem>>, vector<2048x128xi32>
    %mul3A_39 = arith.constant 256 : i32
    %mul3A_40 = vector.broadcast %mul3A_39 : i32 to vector<2048x128xi32>
    %mul3A_41 = arith.muli %select_n3A, %mul3A_40 : vector<2048x128xi32>
    %add3A_42 = arith.addi %get3A_38, %mul3A_41 : vector<2048x128xi32>
    %swap3A_43 = arith.constant 0 : index
    %swap3A_44 = arith.constant 0 : index
    %swap3A_45 = vector.load %arg7[%swap3A_43, %swap3A_44] : memref<2048x128xi32, #tpu.memory_space<vmem>>, vector<2048x128xi32>
    tpu.vector_store %arg7[%swap3A_43, %swap3A_44], %add3A_42 {strides = array<i32>} : memref<2048x128xi32, #tpu.memory_space<vmem>>, vector<2048x128xi32>,
    return
  }
  func.func @transform_0(%arg0: i32) -> (i32, i32) {
    %c0_i32 = arith.constant 0 : i32
    %c0_i32_0 = arith.constant 0 : i32
    return %arg0, %c0_i32 : i32, i32
  }
  func.func @transform_1(%arg0: i32) -> (i32, i32) {
    %c0_i32 = arith.constant 0 : i32
    %c0_i32_0 = arith.constant 0 : i32
    %c0_i32_1 = arith.constant 0 : i32
    return %c0_i32, %c0_i32_0 : i32, i32
  }
  func.func @transform_2(%arg0: i32) -> (i32, i32) {
    %c0_i32 = arith.constant 0 : i32
    %c0_i32_0 = arith.constant 0 : i32
    %c0_i32_1 = arith.constant 0 : i32
    return %c0_i32, %c0_i32_0 : i32, i32
  }
  func.func @transform_3(%arg0: i32) -> (i32, i32) {
    %c0_i32 = arith.constant 0 : i32
    %c0_i32_0 = arith.constant 0 : i32
    %c0_i32_1 = arith.constant 0 : i32
    return %c0_i32, %c0_i32_0 : i32, i32
  }
  func.func @transform_4(%arg0: i32) -> (i32, i32) {
    %c0_i32 = arith.constant 0 : i32
    %c0_i32_0 = arith.constant 0 : i32
    return %arg0, %c0_i32 : i32, i32
  }
  func.func @transform_5(%arg0: i32) -> (i32, i32, i32) {
    %c0_i32 = arith.constant 0 : i32
    %c0_i32_0 = arith.constant 0 : i32
    %c0_i32_1 = arith.constant 0 : i32
    return %arg0, %c0_i32, %c0_i32_0 : i32, i32, i32
  }
  func.func @transform_6(%arg0: i32) -> (i32, i32) {
    %c0_i32 = arith.constant 0 : i32
    %c0_i32_0 = arith.constant 0 : i32
    return %arg0, %c0_i32 : i32, i32
  }
}

</mosaic_0001>

<sc_bundles>
// kernel: kernel.4.cloned.1.call-start
scs
__scs_entry_jumppad:
0x0: {  	(pc) =	sbr.rel $0x88, $3  }
0x1: {  	(tag) =	ssettag $0x0;
	lr =	simm.s32 $0x1  }
0x2: {  	[smem:$0x3F9C] =	sst lr;
	_ =	strace $0xD0000000  }
0x3: {  	_ = 	snop  }
0x4: {  	_ = 	snop  }
0x5: {  	_ = 	snop  }
0x6: {  	_ = 	snop  }
0x7: {  	_ = 	snop  }
__scs_overlays_trampoline_lowered:
0x8: {  	[smem:$0x3FAB] =	sst s0  }
0x9: {  	[smem:$0x3FAC] =	sst s1  }
0xa: {  	[smem:$0x3FAD] =	sst s2  }
0xb: {  	[smem:$0x3FAE] =	sst s3  }
0xc: {  	[smem:$0x3FAF] =	sst s4  }
0xd: {  	[smem:$0x3FB0] =	sst s5  }
0xe: {  	[smem:$0x3FB1] =	sst s6  }
0xf: {  	[smem:$0x3FB2] =	sst s7  }
0x10: {  	[smem:$0x3FB3] =	sst s8  }
0x11: {  	[smem:$0x3FB4] =	sst s9;
	s0 =	simm.s32 @!p0 $0x0  }
0x12: {  	s1 =	sld [smem:$0x3F9A];
	s0 =	simm.s32 @p0 $0x1  }
0x13: {  	[smem:$0x3FB5] =	sst s0;
	s0 =	simm.s32 @!p1 $0x0  }
0x14: {  	s2 =	sld [smem:$0x3F99];
	s0 =	simm.s32 @p1 $0x1  }
0x15: {  	[smem:$0x3FB6] =	sst s0;
	s0 =	simm.s32 @!p2 $0x0  }
0x16: {  	s3 =	sld [smem:$0x3FDB];
	s0 =	simm.s32 @p2 $0x1  }
0x17: {  	s4 =	simm.s32 $0x1BF5;
	[smem:$0x3FB8] =	sst s0  }
0x18: {  	s0 =	sld [smem:$0x3F9B];
	_ =	swait.ge [sflag:s4], $0x0  }
0x19: {  	s7 =	sld [smem:$0x3F9C]  }
0x1a: {  	s8 =	sadd.s32 $0xFFFFE003, lr  }
0x1b: {  	s9 =	sadd.s32 $0xFFFFFEF7, lr;
	s5 =	simm.s32 $0xFFFFFFFF;
	p2 =	slt.u32 s8, $0xFFFFF086  }
0x1c: {  	p1 =	slt.u32 s9, $0xF7A;
	s5 =	simm.s32 @!p2 $0x0  }
0x1d: {  	s5 =	simm.s32 @p1 $0x1;
	p0 =	seq.s32 s7, s2  }
0x1e: {  	s7 =	smul.u32 @!p0 $0xF7A, s2;
	p2 =	seq.s32 @!p0 s5, $0x0  }
0x1f: {  	s9 =	smul.u32 $0xF7A, s1;
	s8 =	simm.s32 @!p0 $0x1BF5;
	p2 =	por !p2, p0  }
0x20: {  	[sflag:s8] =	ssyncset.s32 @!p0 $0xFFFFF086;
	s6 =	sadd.s32 @!p0 s3, s7;
	s7 =	simm.s32 @!p0 $0x108  }
0x21: {  	s3 =	sadd.s32 s3, s9;
	s6 =	sadd.s32 @!p0 $0x88, s6;
	s7 =	simm.s32 @p2 $0x1082  }
0x22: {  	[simem:s7], [sflag:s8] =	dma.local @!p0 [hbm:s6], $0xF7A  }
0x23: {  	s9 =	sor.u32 $0xD0000000, s2;
	s6 =	simm.s32 $0x108;
	_ =	swait.ge @!p0 [sflag:s8], $0x0  }
0x24: {  	s3 =	sadd.s32 $0x88, s3;
	s6 =	simm.s32 @!p1 $0x1082;
	[sflag:s4] =	ssyncset.s32 $0xFFFFF086  }
0x25: {  	[simem:s6], [sflag:s4] =	dma.local [hbm:s3], $0xF7A  }
0x26: {  	[smem:$0x3F9C] =	sst s1;
	(tag) =	ssettag s2;
	_ =	strace s9  }
0x27: {  	s1 =	sld [smem:$0x3FAC]  }
0x28: {  	s2 =	sld [smem:$0x3FAD]  }
0x29: {  	s4 =	sld [smem:$0x3FAF]  }
0x2a: {  	p0 =	seq.s32 s5, $0x0;
	s5 =	sld [smem:$0x3FB0]  }
0x2b: {  	s6 =	sld [smem:$0x3FB1]  }
0x2c: {  	s7 =	sld [smem:$0x3FB2]  }
0x2d: {  	s3 =	simm.s32 $0x108;
	s8 =	sld [smem:$0x3FB3]  }
0x2e: {  	s3 =	simm.s32 @!p0 $0x1082;
	s9 =	sld [smem:$0x3FB4]  }
0x2f: {  	lr =	sadd.s32 s0, s3;
	s0 =	sld [smem:$0x3FAB]  }
0x30: {  	s3 =	sld [smem:$0x3FAE]  }
0x31: {  	[smem:$0x3FB7] =	sst s10  }
0x32: {  	s10 =	sld [smem:$0x3FB5];
	_ =	sdelay $0x3  }
0x33: {  	p0 =	seq.s32 s10, $0x1;
	s10 =	sld [smem:$0x3FB7];
	_ =	sdelay $0x3  }
0x34: {  	[smem:$0x3FB7] =	sst s10  }
0x35: {  	s10 =	sld [smem:$0x3FB6];
	_ =	sdelay $0x3  }
0x36: {  	p1 =	seq.s32 s10, $0x1;
	s10 =	sld [smem:$0x3FB7];
	_ =	sdelay $0x3  }
0x37: {  	[smem:$0x3FB7] =	sst s10  }
0x38: {  	s10 =	sld [smem:$0x3FB8]  }
0x39: {  	_ = 	snop;
	(pc) =	sbr.ind lr, $3  }
0x3a: {  	_ = 	snop  }
0x3b: {  	_ = 	snop  }
0x3c: {  	p2 =	seq.s32 s10, $0x1;
	s10 =	sld [smem:$0x3FB7]  }
0x3d: {  	_ =	shalt  }
0x3e: {  	_ =	shalt  }
0x3f: {  	_ =	shalt  }
0x40: {  	_ =	shalt  }
0x41: {  	_ =	shalt  }
0x42: {  	_ =	shalt  }
0x43: {  	_ =	shalt  }
0x44: {  	_ =	shalt  }
0x45: {  	_ =	shalt  }
0x46: {  	_ =	shalt  }
0x47: {  	_ =	shalt  }
0x48: {  	_ =	shalt  }
0x49: {  	_ =	shalt  }
0x4a: {  	_ =	shalt  }
0x4b: {  	_ =	shalt  }
0x4c: {  	_ =	shalt  }
0x4d: {  	_ =	shalt  }
0x4e: {  	_ =	shalt  }
0x4f: {  	_ =	shalt  }
0x50: {  	_ =	shalt  }
0x51: {  	_ =	shalt  }
0x52: {  	_ =	shalt  }
0x53: {  	_ =	shalt  }
0x54: {  	_ =	shalt  }
0x55: {  	_ =	shalt  }
0x56: {  	_ =	shalt  }
0x57: {  	_ =	shalt  }
0x58: {  	_ =	shalt  }
0x59: {  	_ =	shalt  }
0x5a: {  	_ =	shalt  }
0x5b: {  	_ =	shalt  }
0x5c: {  	_ =	shalt  }
0x5d: {  	_ =	shalt  }
0x5e: {  	_ =	shalt  }
0x5f: {  	_ =	shalt  }
0x60: {  	_ =	shalt  }
0x61: {  	_ =	shalt  }
0x62: {  	_ =	shalt  }
0x63: {  	_ =	shalt  }
0x64: {  	_ =	shalt  }
0x65: {  	_ =	shalt  }
0x66: {  	_ =	shalt  }
0x67: {  	_ =	shalt  }
0x68: {  	_ =	shalt  }
0x69: {  	_ =	shalt  }
0x6a: {  	_ =	shalt  }
0x6b: {  	_ =	shalt  }
0x6c: {  	_ =	shalt  }
0x6d: {  	_ =	shalt  }
0x6e: {  	_ =	shalt  }
0x6f: {  	_ =	shalt  }
0x70: {  	_ =	shalt  }
0x71: {  	_ =	shalt  }
0x72: {  	_ =	shalt  }
0x73: {  	_ =	shalt  }
0x74: {  	_ =	shalt  }
0x75: {  	_ =	shalt  }
0x76: {  	_ =	shalt  }
0x77: {  	_ =	shalt  }
0x78: {  	_ =	shalt  }
0x79: {  	_ =	shalt  }
0x7a: {  	_ =	shalt  }
0x7b: {  	_ =	shalt  }
0x7c: {  	_ =	shalt  }
0x7d: {  	_ =	shalt  }
0x7e: {  	_ =	shalt  }
0x7f: {  	_ =	shalt  }
0x80: {  	_ =	shalt  }
0x81: {  	_ =	shalt  }
0x82: {  	_ =	shalt  }
0x83: {  	_ =	shalt  }
0x84: {  	_ =	shalt  }
0x85: {  	_ =	shalt  }
0x86: {  	_ =	shalt  }
0x87: {  	_ =	shalt  }
.Lfunc_end0:
.L_simem_size_0:
called_computation_lowered:
.L_overlay_start_0:
0x88: {  	s2 =	sld [smem:$0x3FD9]  }
0x89: {  	s3 =	sld [smem:$0x3FFE];
	_ =	sdelay $0x1  }
0x8a: {  	s1 =	srdreg.scid  }
0x8b: {  	s0 =	sand.u32 $0x1, s1  }
0x8c: {  	s17 =	sshll.u32 s0, $0xA;
	s2 =	sadd.s32 s3, s2  }
0x8d: {  	s2 =	sadd.s32 s2, s17  }
0x8e: {  	[smem:$0x3FC3] =	sst s2  }
0x8f: {  	_ = 	snop  }
0x90: {  	s2 =	sld [smem:$0x3FD0];
	(tm) =	ssettm $0x1  }
0x91: {  	s18 =	sld [smem:$0x3FFB];
	_ =	sdelay $0x3  }
0x92: {  	_ =	strace s18  }
0x93: {  	s3 =	sld [smem:$0x3FFC];
	_ =	sdelay $0x3  }
0x94: {  	_ =	strace s3  }
0x95: {  	s3 =	sld [smem:$0x3FFD];
	_ =	sdelay $0x3  }
0x96: {  	_ =	strace s3  }
0x97: {  	_ =	strace $0x8FFFFFFF  }
0x98: {  	s19 =	sld [smem:$0x3FDB];
	_ =	sdelay $0x1  }
0x99: {  	s4 =	simm.s32 $_scs_section_size  }
0x9a: {  	s5 =	simm.s32 $_size__tile_overlayer_lowered;
	s6 =	simm.s32 $_tile_overlayer_lowered  }
0x9b: {  	s22 =	simm.s32 $0x1BFF;
	s21 =	sshll.u32 s6, $0x1;
	s3 =	sadd.s32 s4, s19  }
0x9c: {  	s7 =	simm.s32 $0x0;
	s20 =	sshll.u32 s5, $0x1;
	s5 =	sadd.s32 s21, s3  }
0x9d: {  	[timem:s7], [sflag:s22] =	dma.local [hbm:s5], s20  }
0x9e: {  	_ =	swait.ge [sflag:s22], s20  }
0x9f: {  	s4 =	ssub.s32 $0x0, s20;
	[sflag:s22] =	ssyncset.done $0x0  }
0xa0: {  	[sflag:s22] =	ssyncadd.s32 s4;
	_ =	sdelay $0x1  }
0xa1: {  	s23 =	simm.s32 $0x1B8B  }
0xa2: {  	_ =	swait.ge [sflag:s23], $0x1  }
0xa3: {  	[sflag:s23] =	ssyncset.done $0x0  }
0xa4: {  	s25 =	simm.s32 $0x1B8E;
	s24 =	sld [smem:$0x3FFE];
	[sflag:s23] =	ssyncadd.s32 $0xFFFFFFFF  }
0xa5: {  	s26 =	simm.s32 $execute0_lowered;
	[smem:$0x3FD2] =	sst s25  }
0xa6: {  	s5 =	sshll.u32 s26, $0x1;
	_ =	strace $0x80000046;
	[dreg:$0x1] =	wrdreg $0xFFFFFFFF  }
0xa7: {  	s28 =	simm.s32 $_size_execute0_lowered;
	s3 =	sadd.s32 s3, s5;
	[dreg:$0x0] =	wrdreg $0x0  }
0xa8: {  	s5 =	sshll.u32 s28, $0x1;
	[dreg:$0x2] =	wrdreg s3  }
0xa9: {  	[dreg:$0x3] =	wrdreg s5  }
0xaa: {  	[dreg:$0x4] =	wrdreg $0xC0  }
0xab: {  	_ =	task [dreg:s7], $0x5FFFF  }
0xac: {  	[dreg:$0x1] =	wrdreg $0xFFFFFFFF  }
0xad: {  	[dreg:$0x0] =	wrdreg $0x60  }
0xae: {  	[dreg:$0x2] =	wrdreg s24  }
0xaf: {  	[dreg:$0x3] =	wrdreg s2  }
0xb0: {  	[dreg:$0x4] =	wrdreg $0x9  }
0xb1: {  	_ =	task.clear_ibuf [dreg:s7], $0x5FFFF;
	_ =	strace $0x90000046  }
0xb2: {  	s29 =	simm.s32 $0x9;
	_ =	strace $0x80000048  }
0xb3: {  	_ =	swait.ge [sflag:s29], $0x1  }
0xb4: {  	[sflag:s29] =	ssyncadd.s32 $0xFFFFFFFF  }
0xb5: {  	_ =	strace $0x90000048  }
0xb6: {  	_ =	sfence  }
0xb7: {  	s30 =	sld [smem:$0x0];
	_ =	sdelay $0x2  }
0xb8: {  	s31 =	sshll.u32 s1, $0xD;
	s1 =	sshrl.u32 s1, $0x2  }
0xb9: {  	s3 =	sand.u32 $0x4000, s31;
	s1 =	sadd.s32 s1, s30  }
0xba: {  	s0 =	sor.u32 s3, s0;
	s1 =	sshll.u32 s1, $0x11  }
0xbb: {  	s0 =	sor.u32 s1, s0  }
0xbc: {  	s0 =	sadd.s32 $0x8F2B, s0  }
0xbd: {  	[sflag:s0] =	ssyncadd.remote.s32 $0x1  }
0xbe: {  	_ =	sfence.sel $0xFFFF  }
0xbf: {  	[dreg:$0x0] =	wrdreg $0xFFFFFFFF;
	(pc) =	sbr.abs _section_cstart, $3  }
0xc0: {  	[dreg:$0x1] =	wrdreg $0xFFFFFFFF  }
0xc1: {  	_ =	task.clear_ibuf [dreg:s7], $0x2FFFF;
	_ =	strace $0x9FFFFFFF  }
0xc2: {  	(tm) =	ssettm $0x7FFFFFFF  }
0xc3: {  	_ =	shalt  }
tec
execute0_lowered:
.L_overlay_start_1:
0x0: {  	(tag) =	ssettag $0x1  }
0x1: {  	s0 =	rddreg [dreg:$0x0]  }
0x2: {  	s1 =	rddreg [dreg:$0x1];
	s2 =	simm.s32 $0x0  }
0x3: {  	s3 =	srdreg.scid;
	s8 =	stileid.u32;
	s15 =	simm.s32 $0xF  }
0x4: {  	s29 =	simm.s32 $0x16000;
	s30 =	simm.s32 $0x3;
	s28 =	simm.s32 $0x9  }
0x5: {  	s31 =	simm.s32 $0x6;
	s9 =	simm.s32 $0xE;
	s10 =	simm.s32 $0x0  }
0x6: {  	[smem:$0x7FF] =	sst s2;
	s5 =	sand.u32 $0x1, s3;
	s4 =	sshll.u32 s8, $0x1  }
0x7: {  	s3 =	sadd.s32 $0x1000, s0;
	s20 =	sshll.u32 s8, $0x12;
	s4 =	sor.u32 s5, s4  }
0x8: {  	s8 =	simm.s32 $0xD;
	s6 =	sshll.u32 s4, $0xA;
	s4 =	sshll.u32 s4, $0x11  }
0x9: {  	_ =	strace $0x80000047;
	s0 =	sadd.s32 s6, s0;
	s4 =	sadd.s32 s1, s4  }
0xa: {  	s7 =	ssub.s32 $0x2, s5;
	s0 =	sadd.s32 $0x41000, s0;
	[dreg:$0x3] =	wrdreg s4  }
0xb: {  	s22 =	sshll.u32 s5, $0x11;
	s17 =	sadd.s32 $0x800, s4;
	[dreg:$0x4] =	wrdreg s0  }
0xc: {  	s5 =	simm.s32 $0x7;
	s18 =	sadd.s32 $0x1000, s4;
	[dreg:$0x5] =	wrdreg s17  }
0xd: {  	s16 =	sshrl.u32 s7, $0x1;
	s19 =	sadd.s32 $0x1800, s4;
	[dreg:$0x6] =	wrdreg s18  }
0xe: {  	s6 =	ssub.s32 s7, s16;
	s21 =	sadd.s32 $0x2000, s4;
	[dreg:$0x7] =	wrdreg s19  }
0xf: {  	s16 =	simm.s32 $0x80;
	s23 =	sadd.s32 $0x1E800, s4;
	[dreg:$0x8] =	wrdreg s21  }
0x10: {  	s7 =	simm.s32 $0xC;
	s24 =	sadd.s32 $0x1F000, s4;
	[dreg:$0x9] =	wrdreg s23  }
0x11: {  	s25 =	sadd.s32 $0x1F800, s4;
	s26 =	smax.u32 s6, $0x1;
	[dreg:$0xa] =	wrdreg s24  }
0x12: {  	s6 =	simm.s32 $0xB;
	s0 =	sadd.s32 s20, s1;
	[dreg:$0xb] =	wrdreg s25  }
0x13: {  	[dreg:$0xc] =	wrdreg s26;
	s17 =	simm.s32 $0x2000;
	s18 =	simm.s32 $0x6000  }
0x14: {  	s20 =	simm.s32 $0xA000;
	s23 =	simm.s32 $0x1;
	s25 =	simm.s32 $0x12000  }
0x15: {  	s26 =	simm.s32 $0x2;
	s1 =	simm.s32 $0x4;
	s19 =	simm.s32 $0x8  }
0x16: {  	s24 =	simm.s32 $0x5;
	s21 =	simm.s32 $0xA;
	s0 =	sadd.s32 s22, s0  }
0x17: {  	s22 =	simm.s32 $0xE000;
	s14 =	sadd.s32 $0x3000, s0;
	s0 =	simm.s32 $0x1A000  }
.LBB2_1:
0x18: {  	s4 =	rddreg [dreg:$0x4]  }
0x19: {  	[tilespmem:s2], [sflag:$0xF] =	stream.linear.gather [hbm4b:s4+s2], $0x2000, $0x38;
	[tilespmem:$0x1E000] =	vst v63  }
0x1a: {  	_ =	swait.ge [sflag:s15], $0x2000  }
0x1b: {  	[sflag:s15] =	ssyncset.done $0x0  }
0x1c: {  	[sflag:s15] =	ssyncadd.s32 $0xFFFFE000  }
0x1d: {  	[tilespmem:s17], [sflag:$0x1] =	stream.indirect.gather [hbm4b:s3+s16], $0x80, s2, s16, $0xb8;
	[tilespmem:$0x1E000] =	vst v63  }
0x1e: {  	_ = 	snop  }
0x1f: {  	[tilespmem:s18], [sflag:$0x2] =	stream.indirect.gather [hbm4b:s3+s16], $0x80, s16, s16, $0xb8;
	[tilespmem:$0x1E000] =	vst v63  }
0x20: {  	s13 =	simm.s32 $0x100  }
0x21: {  	[tilespmem:s20], [sflag:$0x3] =	stream.indirect.gather [hbm4b:s3+s16], $0x80, s13, s16, $0xb8;
	[tilespmem:$0x1E000] =	vst v63  }
0x22: {  	s11 =	simm.s32 $0x180  }
0x23: {  	[tilespmem:s22], [sflag:$0x4] =	stream.indirect.gather [hbm4b:s3+s16], $0x80, s11, s16, $0xb8;
	[tilespmem:$0x1E000] =	vst v63  }
0x24: {  	_ =	swait.ge [sflag:s23], $0x4000  }
0x25: {  	[sflag:s23] =	ssyncset.done $0x0  }
0x26: {  	s12 =	rddreg [dreg:$0x3];
	[sflag:s23] =	ssyncadd.s32 $0xFFFFC000  }
0x27: {  	[hbm4b:s12+s2] =	stream.linear.scatter [tilespmem:s17], [sflag:$0x8], $0x4000, $0x38;
	[tilespmem:$0x1E000] =	vst v63  }
0x28: {  	s13 =	simm.s32 $0x200  }
0x29: {  	[tilespmem:s25], [sflag:$0x5] =	stream.indirect.gather [hbm4b:s3+s16], $0x80, s13, s16, $0xb8;
	[tilespmem:$0x1E000] =	vst v63  }
0x2a: {  	_ =	swait.ge [sflag:s26], $0x4000  }
0x2b: {  	[sflag:s26] =	ssyncset.done $0x0  }
0x2c: {  	s11 =	rddreg [dreg:$0x5];
	[sflag:s26] =	ssyncadd.s32 $0xFFFFC000  }
0x2d: {  	[hbm4b:s11+s2] =	stream.linear.scatter [tilespmem:s18], [sflag:$0x9], $0x4000, $0x38;
	[tilespmem:$0x1E000] =	vst v63  }
0x2e: {  	s12 =	simm.s32 $0x280  }
0x2f: {  	[tilespmem:s29], [sflag:$0x6] =	stream.indirect.gather [hbm4b:s3+s16], $0x80, s12, s16, $0xb8;
	[tilespmem:$0x1E000] =	vst v63  }
0x30: {  	_ =	swait.ge [sflag:s30], $0x4000  }
0x31: {  	[sflag:s30] =	ssyncset.done $0x0  }
0x32: {  	s13 =	rddreg [dreg:$0x6];
	[sflag:s30] =	ssyncadd.s32 $0xFFFFC000  }
0x33: {  	[hbm4b:s13+s2] =	stream.linear.scatter [tilespmem:s20], [sflag:$0xA], $0x4000, $0x38;
	[tilespmem:$0x1E000] =	vst v63  }
0x34: {  	s11 =	simm.s32 $0x300  }
0x35: {  	[tilespmem:s0], [sflag:$0x7] =	stream.indirect.gather [hbm4b:s3+s16], $0x80, s11, s16, $0xb8;
	[tilespmem:$0x1E000] =	vst v63  }
0x36: {  	_ =	swait.ge [sflag:s1], $0x4000  }
0x37: {  	[sflag:s1] =	ssyncset.done $0x0  }
0x38: {  	s12 =	rddreg [dreg:$0x7];
	[sflag:s1] =	ssyncadd.s32 $0xFFFFC000  }
0x39: {  	[hbm4b:s12+s2] =	stream.linear.scatter [tilespmem:s22], [sflag:$0xB], $0x4000, $0x38;
	[tilespmem:$0x1E000] =	vst v63  }
0x3a: {  	_ =	swait.ge [sflag:s19], $0x4000  }
0x3b: {  	[sflag:s19] =	ssyncset.done $0x0  }
0x3c: {  	s13 =	simm.s32 $0x380;
	[sflag:s19] =	ssyncadd.s32 $0xFFFFC000  }
0x3d: {  	[tilespmem:s17], [sflag:$0x1] =	stream.indirect.gather [hbm4b:s3+s16], $0x80, s13, s16, $0xb8;
	[tilespmem:$0x1E000] =	vst v63  }
0x3e: {  	_ =	swait.ge [sflag:s24], $0x4000  }
0x3f: {  	[sflag:s24] =	ssyncset.done $0x0  }
0x40: {  	s11 =	rddreg [dreg:$0x8];
	[sflag:s24] =	ssyncadd.s32 $0xFFFFC000  }
0x41: {  	[hbm4b:s11+s2] =	stream.linear.scatter [tilespmem:s25], [sflag:$0xC], $0x4000, $0x38;
	[tilespmem:$0x1E000] =	vst v63  }
0x42: {  	_ =	swait.ge [sflag:s28], $0x4000  }
0x43: {  	[sflag:s28] =	ssyncset.done $0x0  }
0x44: {  	s11 =	simm.s32 $0x400;
	[sflag:s28] =	ssyncadd.s32 $0xFFFFC000  }
0x45: {  	[tilespmem:s18], [sflag:$0x2] =	stream.indirect.gather [hbm4b:s3+s16], $0x80, s11, s16, $0xb8;
	[tilespmem:$0x1E000] =	vst v63  }
0x46: {  	_ =	swait.ge [sflag:s31], $0x4000  }
0x47: {  	[sflag:s31] =	ssyncset.done $0x0  }
0x48: {  	s12 =	sadd.s32 $0xFFFFF800, s14;
	[sflag:s31] =	ssyncadd.s32 $0xFFFFC000  }
0x49: {  	[hbm4b:s12+s2] =	stream.linear.scatter [tilespmem:s29], [sflag:$0xD], $0x4000, $0x38;
	[tilespmem:$0x1E000] =	vst v63  }
0x4a: {  	_ =	swait.ge [sflag:s21], $0x4000  }
0x4b: {  	[sflag:s21] =	ssyncset.done $0x0  }
0x4c: {  	s13 =	simm.s32 $0x480;
	[sflag:s21] =	ssyncadd.s32 $0xFFFFC000  }
0x4d: {  	[tilespmem:s20], [sflag:$0x3] =	stream.indirect.gather [hbm4b:s3+s16], $0x80, s13, s16, $0xb8;
	[tilespmem:$0x1E000] =	vst v63  }
0x4e: {  	_ =	swait.ge [sflag:s5], $0x4000  }
0x4f: {  	[sflag:s5] =	ssyncset.done $0x0  }
0x50: {  	[sflag:s5] =	ssyncadd.s32 $0xFFFFC000  }
0x51: {  	[hbm4b:s14+s2] =	stream.linear.scatter [tilespmem:s0], [sflag:$0xE], $0x4000, $0x38;
	[tilespmem:$0x1E000] =	vst v63  }
0x52: {  	_ =	swait.ge [sflag:s6], $0x4000  }
0x53: {  	[sflag:s6] =	ssyncset.done $0x0  }
0x54: {  	s4 =	simm.s32 $0x500;
	[sflag:s6] =	ssyncadd.s32 $0xFFFFC000  }
0x55: {  	[tilespmem:s22], [sflag:$0x4] =	stream.indirect.gather [hbm4b:s3+s16], $0x80, s4, s16, $0xb8;
	[tilespmem:$0x1E000] =	vst v63  }
0x56: {  	_ =	swait.ge [sflag:s23], $0x4000  }
0x57: {  	[sflag:s23] =	ssyncset.done $0x0  }
0x58: {  	s12 =	sadd.s32 $0x800, s14;
	[sflag:s23] =	ssyncadd.s32 $0xFFFFC000  }
0x59: {  	[hbm4b:s12+s2] =	stream.linear.scatter [tilespmem:s17], [sflag:$0x8], $0x4000, $0x38;
	[tilespmem:$0x1E000] =	vst v63  }
0x5a: {  	_ =	swait.ge [sflag:s7], $0x4000  }
0x5b: {  	[sflag:s7] =	ssyncset.done $0x0  }
0x5c: {  	s13 =	simm.s32 $0x580;
	[sflag:s7] =	ssyncadd.s32 $0xFFFFC000  }
0x5d: {  	[tilespmem:s25], [sflag:$0x5] =	stream.indirect.gather [hbm4b:s3+s16], $0x80, s13, s16, $0xb8;
	[tilespmem:$0x1E000] =	vst v63  }
0x5e: {  	_ =	swait.ge [sflag:s26], $0x4000  }
0x5f: {  	[sflag:s26] =	ssyncset.done $0x0  }
0x60: {  	s4 =	sadd.s32 $0x1000, s14;
	[sflag:s26] =	ssyncadd.s32 $0xFFFFC000  }
0x61: {  	[hbm4b:s4+s2] =	stream.linear.scatter [tilespmem:s18], [sflag:$0x9], $0x4000, $0x38;
	[tilespmem:$0x1E000] =	vst v63  }
0x62: {  	_ =	swait.ge [sflag:s8], $0x4000  }
0x63: {  	[sflag:s8] =	ssyncset.done $0x0  }
0x64: {  	s12 =	simm.s32 $0x600;
	[sflag:s8] =	ssyncadd.s32 $0xFFFFC000  }
0x65: {  	[tilespmem:s29], [sflag:$0x6] =	stream.indirect.gather [hbm4b:s3+s16], $0x80, s12, s16, $0xb8;
	[tilespmem:$0x1E000] =	vst v63  }
0x66: {  	_ =	swait.ge [sflag:s30], $0x4000  }
0x67: {  	[sflag:s30] =	ssyncset.done $0x0  }
0x68: {  	s13 =	sadd.s32 $0x1800, s14;
	[sflag:s30] =	ssyncadd.s32 $0xFFFFC000  }
0x69: {  	[hbm4b:s13+s2] =	stream.linear.scatter [tilespmem:s20], [sflag:$0xA], $0x4000, $0x38;
	[tilespmem:$0x1E000] =	vst v63  }
0x6a: {  	_ =	swait.ge [sflag:s9], $0x4000  }
0x6b: {  	[sflag:s9] =	ssyncset.done $0x0  }
0x6c: {  	s4 =	simm.s32 $0x680;
	[sflag:s9] =	ssyncadd.s32 $0xFFFFC000  }
0x6d: {  	[tilespmem:s0], [sflag:$0x7] =	stream.indirect.gather [hbm4b:s3+s16], $0x80, s4, s16, $0xb8;
	[tilespmem:$0x1E000] =	vst v63  }
0x6e: {  	_ =	swait.ge [sflag:s1], $0x4000  }
0x6f: {  	[sflag:s1] =	ssyncset.done $0x0  }
0x70: {  	s12 =	sadd.s32 $0x2000, s14;
	[sflag:s1] =	ssyncadd.s32 $0xFFFFC000  }
0x71: {  	[hbm4b:s12+s2] =	stream.linear.scatter [tilespmem:s22], [sflag:$0xB], $0x4000, $0x38;
	[tilespmem:$0x1E000] =	vst v63  }
0x72: {  	_ =	swait.ge [sflag:s19], $0x4000  }
0x73: {  	[sflag:s19] =	ssyncset.done $0x0  }
0x74: {  	s13 =	simm.s32 $0x700;
	[sflag:s19] =	ssyncadd.s32 $0xFFFFC000  }
0x75: {  	[tilespmem:s17], [sflag:$0x1] =	stream.indirect.gather [hbm4b:s3+s16], $0x80, s13, s16, $0xb8;
	[tilespmem:$0x1E000] =	vst v63  }
0x76: {  	_ =	swait.ge [sflag:s24], $0x4000  }
0x77: {  	s11 =	simm.s32 $0xE00;
	[sflag:s24] =	ssyncset.done $0x0  }
0x78: {  	s12 =	sadd.s32 $0x3800, s14;
	s13 =	sadd.s32 $0x2800, s14;
	[sflag:s24] =	ssyncadd.s32 $0xFFFFC000  }
.LBB2_2:
0x79: {  	[hbm4b:s13+s2] =	stream.linear.scatter [tilespmem:s25], [sflag:$0xC], $0x4000, $0x38;
	[tilespmem:$0x1E000] =	vst v63  }
0x7a: {  	s13 =	smov.u32 s11  }
0x7b: {  	p0 =	sne.s32 s11, $0x6200;
	s11 =	sadd.s32 $0xE00, s11;
	_ =	swait.ge [sflag:s28], $0x4000  }
0x7c: {  	s13 =	sshra.s32 s13, $0x2;
	[sflag:s28] =	ssyncset.done $0x0  }
0x7d: {  	s4 =	sadd.s32 $0x400, s13;
	[sflag:s28] =	ssyncadd.s32 $0xFFFFC000  }
0x7e: {  	[tilespmem:s18], [sflag:$0x2] =	stream.indirect.gather [hbm4b:s3+s16], $0x80, s4, s16, $0xb8;
	[tilespmem:$0x1E000] =	vst v63  }
0x7f: {  	_ =	swait.ge [sflag:s31], $0x4000  }
0x80: {  	[sflag:s31] =	ssyncset.done $0x0  }
0x81: {  	s4 =	sadd.s32 $0xFFFFF800, s12;
	[sflag:s31] =	ssyncadd.s32 $0xFFFFC000  }
0x82: {  	[hbm4b:s4+s2] =	stream.linear.scatter [tilespmem:s29], [sflag:$0xD], $0x4000, $0x38;
	[tilespmem:$0x1E000] =	vst v63  }
0x83: {  	_ =	swait.ge [sflag:s21], $0x4000  }
0x84: {  	[sflag:s21] =	ssyncset.done $0x0  }
0x85: {  	s4 =	sadd.s32 $0x480, s13;
	[sflag:s21] =	ssyncadd.s32 $0xFFFFC000  }
0x86: {  	[tilespmem:s20], [sflag:$0x3] =	stream.indirect.gather [hbm4b:s3+s16], $0x80, s4, s16, $0xb8;
	[tilespmem:$0x1E000] =	vst v63  }
0x87: {  	_ =	swait.ge [sflag:s5], $0x4000  }
0x88: {  	[sflag:s5] =	ssyncset.done $0x0  }
0x89: {  	[sflag:s5] =	ssyncadd.s32 $0xFFFFC000  }
0x8a: {  	[hbm4b:s12+s2] =	stream.linear.scatter [tilespmem:s0], [sflag:$0xE], $0x4000, $0x38;
	[tilespmem:$0x1E000] =	vst v63  }
0x8b: {  	_ =	swait.ge [sflag:s6], $0x4000  }
0x8c: {  	[sflag:s6] =	ssyncset.done $0x0  }
0x8d: {  	s4 =	sadd.s32 $0x500, s13;
	[sflag:s6] =	ssyncadd.s32 $0xFFFFC000  }
0x8e: {  	[tilespmem:s22], [sflag:$0x4] =	stream.indirect.gather [hbm4b:s3+s16], $0x80, s4, s16, $0xb8;
	[tilespmem:$0x1E000] =	vst v63  }
0x8f: {  	_ =	swait.ge [sflag:s23], $0x4000  }
0x90: {  	[sflag:s23] =	ssyncset.done $0x0  }
0x91: {  	s4 =	sadd.s32 $0x800, s12;
	[sflag:s23] =	ssyncadd.s32 $0xFFFFC000  }
0x92: {  	[hbm4b:s4+s2] =	stream.linear.scatter [tilespmem:s17], [sflag:$0x8], $0x4000, $0x38;
	[tilespmem:$0x1E000] =	vst v63  }
0x93: {  	_ =	swait.ge [sflag:s7], $0x4000  }
0x94: {  	[sflag:s7] =	ssyncset.done $0x0  }
0x95: {  	s4 =	sadd.s32 $0x580, s13;
	[sflag:s7] =	ssyncadd.s32 $0xFFFFC000  }
0x96: {  	[tilespmem:s25], [sflag:$0x5] =	stream.indirect.gather [hbm4b:s3+s16], $0x80, s4, s16, $0xb8;
	[tilespmem:$0x1E000] =	vst v63  }
0x97: {  	_ =	swait.ge [sflag:s26], $0x4000  }
0x98: {  	[sflag:s26] =	ssyncset.done $0x0  }
0x99: {  	s4 =	sadd.s32 $0x1000, s12;
	[sflag:s26] =	ssyncadd.s32 $0xFFFFC000  }
0x9a: {  	[hbm4b:s4+s2] =	stream.linear.scatter [tilespmem:s18], [sflag:$0x9], $0x4000, $0x38;
	[tilespmem:$0x1E000] =	vst v63  }
0x9b: {  	_ =	swait.ge [sflag:s8], $0x4000  }
0x9c: {  	[sflag:s8] =	ssyncset.done $0x0  }
0x9d: {  	s4 =	sadd.s32 $0x600, s13;
	[sflag:s8] =	ssyncadd.s32 $0xFFFFC000  }
0x9e: {  	[tilespmem:s29], [sflag:$0x6] =	stream.indirect.gather [hbm4b:s3+s16], $0x80, s4, s16, $0xb8;
	[tilespmem:$0x1E000] =	vst v63  }
0x9f: {  	_ =	swait.ge [sflag:s30], $0x4000  }
0xa0: {  	[sflag:s30] =	ssyncset.done $0x0  }
0xa1: {  	s4 =	sadd.s32 $0x1800, s12;
	[sflag:s30] =	ssyncadd.s32 $0xFFFFC000  }
0xa2: {  	[hbm4b:s4+s2] =	stream.linear.scatter [tilespmem:s20], [sflag:$0xA], $0x4000, $0x38;
	[tilespmem:$0x1E000] =	vst v63  }
0xa3: {  	_ =	swait.ge [sflag:s9], $0x4000  }
0xa4: {  	[sflag:s9] =	ssyncset.done $0x0  }
0xa5: {  	s4 =	sadd.s32 $0x680, s13;
	[sflag:s9] =	ssyncadd.s32 $0xFFFFC000  }
0xa6: {  	[tilespmem:s0], [sflag:$0x7] =	stream.indirect.gather [hbm4b:s3+s16], $0x80, s4, s16, $0xb8;
	[tilespmem:$0x1E000] =	vst v63  }
0xa7: {  	_ =	swait.ge [sflag:s1], $0x4000  }
0xa8: {  	[sflag:s1] =	ssyncset.done $0x0  }
0xa9: {  	s4 =	sadd.s32 $0x2000, s12;
	[sflag:s1] =	ssyncadd.s32 $0xFFFFC000  }
0xaa: {  	[hbm4b:s4+s2] =	stream.linear.scatter [tilespmem:s22], [sflag:$0xB], $0x4000, $0x38;
	[tilespmem:$0x1E000] =	vst v63  }
0xab: {  	_ =	swait.ge [sflag:s19], $0x4000  }
0xac: {  	[sflag:s19] =	ssyncset.done $0x0  }
.Ltmp0:
0xad: {  	s4 =	sadd.s32 $0x700, s13;
	[sflag:s19] =	ssyncadd.s32 $0xFFFFC000;
	(pc) =	sbr.rel @p0 .LBB2_2-.Ltmp0, $4  }
0xae: {  	[tilespmem:s17], [sflag:$0x1] =	stream.indirect.gather [hbm4b:s3+s16], $0x80, s4, s16, $0xb8;
	[tilespmem:$0x1E000] =	vst v63  }
0xaf: {  	_ =	swait.ge [sflag:s24], $0x4000  }
0xb0: {  	[sflag:s24] =	ssyncset.done $0x0  }
0xb1: {  	s13 =	sadd.s32 $0x2800, s12;
	s12 =	sadd.s32 $0x3800, s12;
	[sflag:s24] =	ssyncadd.s32 $0xFFFFC000  }
0xb2: {  	[hbm4b:s13+s2] =	stream.linear.scatter [tilespmem:s25], [sflag:$0xC], $0x4000, $0x38;
	[tilespmem:$0x1E000] =	vst v63  }
0xb3: {  	_ =	swait.ge [sflag:s31], $0x4000  }
0xb4: {  	[sflag:s31] =	ssyncset.done $0x0  }
0xb5: {  	s4 =	rddreg [dreg:$0x9];
	[sflag:s31] =	ssyncadd.s32 $0xFFFFC000  }
0xb6: {  	[hbm4b:s4+s2] =	stream.linear.scatter [tilespmem:s29], [sflag:$0xD], $0x4000, $0x38;
	[tilespmem:$0x1E000] =	vst v63  }
0xb7: {  	_ =	swait.ge [sflag:s5], $0x4000  }
0xb8: {  	[sflag:s5] =	ssyncset.done $0x0  }
0xb9: {  	s11 =	rddreg [dreg:$0xa];
	[sflag:s5] =	ssyncadd.s32 $0xFFFFC000  }
0xba: {  	[hbm4b:s11+s2] =	stream.linear.scatter [tilespmem:s0], [sflag:$0xE], $0x4000, $0x38;
	[tilespmem:$0x1E000] =	vst v63  }
0xbb: {  	_ =	swait.ge [sflag:s23], $0x4000  }
0xbc: {  	[sflag:s23] =	ssyncset.done $0x0  }
0xbd: {  	s12 =	rddreg [dreg:$0xb];
	[sflag:s23] =	ssyncadd.s32 $0xFFFFC000  }
0xbe: {  	[hbm4b:s12+s2] =	stream.linear.scatter [tilespmem:s17], [sflag:$0x8], $0x4000, $0x38;
	[tilespmem:$0x1E000] =	vst v63  }
0xbf: {  	_ =	swait.ge [sflag:s28], $0x4000  }
0xc0: {  	[sflag:s28] =	ssyncset.done $0x0  }
0xc1: {  	[sflag:s28] =	ssyncadd.s32 $0xFFFFC000  }
0xc2: {  	_ =	swait.ge [sflag:s21], $0x4000  }
0xc3: {  	[sflag:s21] =	ssyncset.done $0x0  }
0xc4: {  	[sflag:s21] =	ssyncadd.s32 $0xFFFFC000  }
0xc5: {  	_ =	swait.ge [sflag:s6], $0x4000  }
0xc6: {  	[sflag:s6] =	ssyncset.done $0x0  }
0xc7: {  	[sflag:s6] =	ssyncadd.s32 $0xFFFFC000  }
0xc8: {  	_ =	swait.ge [sflag:s7], $0x4000  }
0xc9: {  	[sflag:s7] =	ssyncset.done $0x0  }
0xca: {  	[sflag:s7] =	ssyncadd.s32 $0xFFFFC000  }
0xcb: {  	_ =	swait.ge [sflag:s8], $0x4000  }
0xcc: {  	[sflag:s8] =	ssyncset.done $0x0  }
0xcd: {  	[sflag:s8] =	ssyncadd.s32 $0xFFFFC000  }
0xce: {  	_ =	swait.ge [sflag:s9], $0x4000  }
0xcf: {  	[sflag:s9] =	ssyncset.done $0x0  }
0xd0: {  	[sflag:s9] =	ssyncadd.s32 $0xFFFFC000  }
0xd1: {  	_ =	swait.ge [sflag:s19], $0x4000  }
0xd2: {  	s10 =	sadd.s32 $0x1, s10;
	s13 =	rddreg [dreg:$0xc]  }
0xd3: {  	p0 =	sne.s32 s10, s13  }
.Ltmp1:
0xd4: {  	_ = 	snop;
	(pc) =	sbr.rel @p0 .LBB2_1-.Ltmp1, $3  }
0xd5: {  	_ =	sdelay $0x1  }
0xd6: {  	[sflag:s19] =	ssyncset.done $0x0  }
0xd7: {  	[sflag:s19] =	ssyncadd.s32 $0xFFFFC000  }
0xd8: {  	_ =	sfence.sel $0x180000  }
0xd9: {  	[bflag:$0x0] =	sbarrier.arrive $0xFFFF  }
0xda: {  	_ =	strace $0x90000047  }
0xdb: {  	s0 =	stileid.u32;
	[bflag:$0x2] =	sbarrier.arrive $0xFFFF  }
0xdc: {  	p0 =	sne.s32 s0, $0x0;
	s0 =	rddreg [dreg:$0x2]  }
0xdd: {  	s0 =	sadd.s32 @!p0 $0x100000, s0  }
0xde: {  	[sflag:s0] =	ssyncadd.tile.s32 @!p0 $0x1;
	_ =	shalt  }
.Lfunc_end2:
_tile_overlayer_lowered:
.L_overlay_start_2:
0xdf: {  	(tag) =	ssettag $0x2  }
0xe0: {  	s0 =	rddreg [dreg:$0x0];
	s2 =	stileid.u32  }
0xe1: {  	s1 =	rddreg [dreg:$0x1];
	p0 =	sne.s32 s2, $0x0  }
0xe2: {  	s3 =	rddreg [dreg:$0x2];
	[bflag:$0x3] =	sbarrier.arrive $0xFFFF;
	s2 =	simm.s32 @!p0 $0x1C0F  }
0xe3: {  	[timem:s3], [sflag:s2] =	dma.local @!p0 [hbm:s0], s1  }
0xe4: {  	s0 =	simm.s32 @!p0 $0xF  }
0xe5: {  	_ =	swait.ge @!p0 [sflag:s0], s1  }
0xe6: {  	s1 =	ssub.s32 @!p0 $0x0, s1;
	[sflag:s0] =	ssyncset.done @!p0 $0x0  }
0xe7: {  	[sflag:s0] =	ssyncadd.s32 @!p0 s1  }
0xe8: {  	[bflag:$0x3] =	sbarrier.arrive $0xFFFF  }
0xe9: {  	_ =	shalt  }

</sc_bundles>
